<compile_context>
chip_gen: v7x
topology: tpu7x:2x2x1
jax: 0.10.2.dev20260603
libtpu: 0.0.44.dev20260713+nightly
codegen_flags: <defaults>
</compile_context>

<pallas_src>
import functools

import jax
import jax.numpy as jnp
from jax import lax
from jax.experimental import pallas as pl
from jax.experimental.pallas import tpu as pltpu
from jax.experimental.pallas import tpu_sc as plsc

B, L, V, D = 4096, 200, 1000000, 64
EPS = 1e-6
N = B * L
NC, NS = 2, 16
NW = NC * NS
PER_W = N // NW
T = 256
HW = PER_W
NBLK = HW // T
NJ = T // 128


def _lane_sum_splat(x, perms):
    dnums = lax.GatherDimensionNumbers(
        offset_dims=(), collapsed_slice_dims=(0,), start_index_map=(0,)
    )
    for idx in perms:
        x = x + lax.gather(
            x,
            idx[:, None],
            dnums,
            slice_sizes=(1,),
            mode=lax.GatherScatterMode.PROMISE_IN_BOUNDS,
        )
    return x


def _comb_body(pos_ref, seg_ref, out_ref):
    out_ref[...] = seg_ref[...][:, None, :] + pos_ref[...][None, :, :]


def _build_comb(pos_used, seg_table):
    return pl.pallas_call(
        _comb_body,
        out_shape=jax.ShapeDtypeStruct((3, L, D), jnp.float32),
    )(pos_used, seg_table)


_mesh = plsc.VectorSubcoreMesh(
    core_axis_name="c", subcore_axis_name="s", num_cores=NC, num_subcores=NS
)


@functools.partial(
    pl.kernel,
    out_type=jax.ShapeDtypeStruct((N, D), jnp.float32),
    mesh=_mesh,
    scratch_types=[
        pltpu.VMEM((HW,), jnp.int32),
        pltpu.VMEM((HW,), jnp.int32),
        pltpu.VMEM((T, D), jnp.float32),
        pltpu.VMEM((T, D), jnp.float32),
        pltpu.VMEM((T, D), jnp.float32),
        pltpu.VMEM((T, D), jnp.float32),
        pltpu.VMEM((D,), jnp.float32),
        pltpu.VMEM((D,), jnp.float32),
        pltpu.SemaphoreType.DMA,
        pltpu.SemaphoreType.DMA,
        pltpu.SemaphoreType.DMA,
        pltpu.SemaphoreType.DMA,
    ],
    compiler_params=pltpu.CompilerParams(use_tc_tiling_on_sc=False),
)
def _sc_embed(tok_hbm, seq_hbm, seg_hbm, comb_hbm, gam_hbm, bet_hbm, out_hbm,
              idx_big, crow_big, rows0, rows1, cb0, cb1,
              gam_v, bet_v, semg0, semg1, semw0, semw1):
    wid = lax.axis_index("s") * NC + lax.axis_index("c")
    wbase = wid * PER_W
    rows_s = (rows0, rows1)
    cb_s = (cb0, cb1)
    semg = (semg0, semg1)
    semw = (semw0, semw1)
    pltpu.sync_copy(gam_hbm, gam_v)
    pltpu.sync_copy(bet_hbm, bet_v)
    gam = [gam_v[pl.ds(k * 16, 16)] for k in range(4)]
    bet = [bet_v[pl.ds(k * 16, 16)] for k in range(4)]
    perms = [lax.iota(jnp.int32, 16) ^ off for off in (8, 4, 2, 1)]
    dummy = out_hbm.at[pl.ds(0, T)]

    def prefetch(b, s):
        for j in range(NJ):
            sl = pl.ds(j * 128, 128)
            bsl = pl.ds(b * T + j * 128, 128)
            pltpu.async_copy(
                comb_hbm.at[crow_big.at[bsl]], cb_s[s].at[sl], semg[s]
            )
            pltpu.async_copy(
                tok_hbm.at[idx_big.at[bsl]], rows_s[s].at[sl], semg[s]
            )

    def compute(b, s):
        rows, cb = rows_s[s], cb_s[s]

        @plsc.parallel_loop(0, T, step=1, unroll=4)
        def tok_body(t):
            x = [
                rows[t, pl.ds(k * 16, 16)] + cb[t, pl.ds(k * 16, 16)]
                for k in range(4)
            ]
            s_ = (x[0] + x[1]) + (x[2] + x[3])
            q = (x[0] * x[0] + x[1] * x[1]) + (x[2] * x[2] + x[3] * x[3])
            mean = _lane_sum_splat(s_, perms) * (1.0 / D)
            msq = _lane_sum_splat(q, perms) * (1.0 / D)
            v = (msq - mean * mean) + EPS
            ii = lax.bitcast_convert_type(v, jnp.int32)
            ii = 0x5F3759DF - lax.shift_right_logical(ii, 1)
            y = lax.bitcast_convert_type(ii, jnp.float32)
            h = v * 0.5
            for _ in range(2):
                y = y * (1.5 - h * y * y)
            for k in range(4):
                rows[t, pl.ds(k * 16, 16)] = (x[k] - mean) * y * gam[k] + bet[k]

    def chunk_body(c, carry0):
        cbase = wbase + c * HW
        pltpu.sync_copy(seq_hbm.at[pl.ds(cbase, HW)], idx_big)
        pltpu.sync_copy(seg_hbm.at[pl.ds(cbase, HW)], crow_big)

        @plsc.parallel_loop(0, HW // 16, step=1, unroll=2)
        def crow_grp(g):
            base_t = g * 16
            segv = crow_big[pl.ds(base_t, 16)]
            posv = lax.rem(
                jnp.full((16,), cbase + base_t, jnp.int32)
                + lax.iota(jnp.int32, 16),
                L,
            )
            crow_big[pl.ds(base_t, 16)] = segv * L + posv

        prefetch(0, 0)

        def pair_body(j2, carry):
            for s in (0, 1):
                b = j2 * 2 + s
                s2 = 1 - s

                @pl.when(b + 1 < NBLK)
                def _():
                    @pl.when(b >= 1)
                    def _():
                        pltpu.make_async_copy(
                            rows_s[s2], dummy, semw[s2]
                        ).wait()

                    prefetch(b + 1, s2)

                pltpu.make_async_copy(dummy, rows_s[s], semg[s]).wait()
                pltpu.make_async_copy(dummy, cb_s[s], semg[s]).wait()
                compute(b, s)
                pltpu.async_copy(
                    rows_s[s], out_hbm.at[pl.ds(cbase + b * T, T)], semw[s]
                )
            return carry

        lax.fori_loop(0, NBLK // 2, pair_body, 0)
        pltpu.make_async_copy(rows_s[0], dummy, semw[0]).wait()
        pltpu.make_async_copy(rows_s[1], dummy, semw[1]).wait()
        return carry0

    lax.fori_loop(0, 1, chunk_body, 0)


def kernel(seq, segment_label, token_table, pos_table, seg_table, gamma, beta):
    comb = _build_comb(pos_table[:L], seg_table).reshape(3 * L, D)
    seqf = seq.astype(jnp.int32).reshape(N)
    segf = segment_label.astype(jnp.int32).reshape(N)
    out = _sc_embed(token_table, seqf, segf, comb, gamma, beta)
    return out.reshape(B, L, D)

# --- scband reference (transcript-rebuilt; emitter-appended) ---
"""Pipeline reference for scband-bertembeddings-23235773071406 (READ-ONLY COPY).

The authoritative reference and input builder live on the scoring server;
editing this copy changes nothing except your own understanding.
"""

import jax, jax.numpy as jnp
import numpy as np

B, L = 4096, 200
V, D, MAXLEN = 1000000, 64, 512
EPS = 1e-06


def setup_inputs(seed: int = 0) -> dict:
    key = jax.random.key(seed)
    ks = jax.random.split(key, 6)
    seq = jax.random.randint(ks[0], (B, L), 0, V, dtype=jnp.int64 if jax.config.jax_enable_x64 else jnp.int32)
    segment_label = jax.random.randint(ks[1], (B, L), 0, 3, dtype=jnp.int64 if jax.config.jax_enable_x64 else jnp.int32)
    token_table = jax.random.normal(ks[2], (V, D), dtype=jnp.float32) * 0.02
    token_table = token_table.at[0].set(0.0)  # padding_idx=0
    pos_table = jax.random.normal(ks[3], (MAXLEN, D), dtype=jnp.float32) * 0.02
    seg_table = jax.random.normal(ks[4], (3, D), dtype=jnp.float32) * 0.02
    seg_table = seg_table.at[0].set(0.0)  # padding_idx=0
    gamma = jnp.ones((D,), dtype=jnp.float32)
    beta = jnp.zeros((D,), dtype=jnp.float32)
    return {
        "seq": seq,
        "segment_label": segment_label,
        "token_table": token_table,
        "pos_table": pos_table,
        "seg_table": seg_table,
        "gamma": gamma,
        "beta": beta,
    }


def reference(seq, segment_label, token_table, pos_table, seg_table, gamma, beta):
    batch_size, seq_length = seq.shape
    position_ids = jnp.arange(seq_length)
    token_embeddings = jnp.take(token_table, seq, axis=0)           # [B, L, D] gather
    position_embeddings = jnp.take(pos_table, position_ids, axis=0)  # [L, D], broadcast over batch
    embeddings = token_embeddings + position_embeddings[None, :, :]
    segment_embeddings = jnp.take(seg_table, segment_label, axis=0)
    embeddings = embeddings + segment_embeddings
    # LayerNorm over last dim, eps=1e-6 (biased variance, matching torch)
    mean = jnp.mean(embeddings, axis=-1, keepdims=True)
    var = jnp.var(embeddings, axis=-1, keepdims=True)
    normed = (embeddings - mean) / jnp.sqrt(var + EPS)
    out = normed * gamma + beta
    # dropout is identity at inference
    return out

if __name__ == "__main__":
    import jax
    _d = setup_inputs()
    print(jax.jit(kernel)(*tuple(_d.values())))

</pallas_src>

<mosaic_0001>
#map = affine_map<(d0, d1) -> (0, 0)>
#map1 = affine_map<(d0, d1) -> (0)>
module attributes {stable_mosaic.version = 14 : i64} {
  func.func @_sc_embed(%arg0: i32, %arg1: i32, %arg2: memref<1000000x64xf32, #tpu.memory_space<hbm>>, %arg3: memref<819200xi32, #tpu.memory_space<hbm>>, %arg4: memref<819200xi32, #tpu.memory_space<hbm>>, %arg5: memref<600x64xf32, #tpu.memory_space<hbm>>, %arg6: memref<64xf32, #tpu.memory_space<hbm>>, %arg7: memref<64xf32, #tpu.memory_space<hbm>>, %arg8: memref<819200x64xf32, #tpu.memory_space<hbm>>, %arg9: memref<25600xi32, #tpu.memory_space<vmem>>, %arg10: memref<25600xi32, #tpu.memory_space<vmem>>, %arg11: memref<256x64xf32, #tpu.memory_space<vmem>>, %arg12: memref<256x64xf32, #tpu.memory_space<vmem>>, %arg13: memref<256x64xf32, #tpu.memory_space<vmem>>, %arg14: memref<256x64xf32, #tpu.memory_space<vmem>>, %arg15: memref<64xf32, #tpu.memory_space<vmem>>, %arg16: memref<64xf32, #tpu.memory_space<vmem>>, %arg17: memref<!tpu.dma_semaphore, #tpu.memory_space<semaphore_mem>>, %arg18: memref<!tpu.dma_semaphore, #tpu.memory_space<semaphore_mem>>, %arg19: memref<!tpu.dma_semaphore, #tpu.memory_space<semaphore_mem>>, %arg20: memref<!tpu.dma_semaphore, #tpu.memory_space<semaphore_mem>>) attributes {dimension_semantics = [#tpu.dimension_semantics<core_parallel>, #tpu.dimension_semantics<subcore_parallel>], iteration_bounds = array<i64: 2, 16>, scalar_prefetch = 0 : i64, scratch_operands = 12 : i64, tpu.core_type = #tpu.core_type<sc_vector_subcore>, window_params = [{transform_indices = #map}, {transform_indices = #map1}, {transform_indices = #map1}, {transform_indices = #map}, {transform_indices = #map1}, {transform_indices = #map1}, {transform_indices = #map}]} {
    %mul3A = arith.constant 2 : i32
    %mul3A_0 = arith.muli %arg1, %mul3A : i32
    %add3A = arith.addi %mul3A_0, %arg0 : i32
    %mul3A_1 = arith.constant 25600 : i32
    %mul3A_2 = arith.muli %add3A, %mul3A_1 : i32
    "tpu.region"() ({
      %run_scoped3A = tpu.sem_alloc : memref<!tpu.dma_semaphore, #tpu.memory_space<semaphore_mem>>
      tpu.enqueue_dma source(%arg6 : memref<64xf32, #tpu.memory_space<hbm>>) target(%arg15 : memref<64xf32, #tpu.memory_space<vmem>>) target_semaphore(%run_scoped3A : memref<!tpu.dma_semaphore, #tpu.memory_space<semaphore_mem>>)
      tpu.wait_dma2 semaphore(%run_scoped3A : memref<!tpu.dma_semaphore, #tpu.memory_space<semaphore_mem>>) src(%arg6 : memref<64xf32, #tpu.memory_space<hbm>>) dst(%arg15 : memref<64xf32, #tpu.memory_space<vmem>>)
      tpu.yield
    }) : () -> ()
    "tpu.region"() ({
      %run_scoped3A = tpu.sem_alloc : memref<!tpu.dma_semaphore, #tpu.memory_space<semaphore_mem>>
      tpu.enqueue_dma source(%arg7 : memref<64xf32, #tpu.memory_space<hbm>>) target(%arg16 : memref<64xf32, #tpu.memory_space<vmem>>) target_semaphore(%run_scoped3A : memref<!tpu.dma_semaphore, #tpu.memory_space<semaphore_mem>>)
      tpu.wait_dma2 semaphore(%run_scoped3A : memref<!tpu.dma_semaphore, #tpu.memory_space<semaphore_mem>>) src(%arg7 : memref<64xf32, #tpu.memory_space<hbm>>) dst(%arg16 : memref<64xf32, #tpu.memory_space<vmem>>)
      tpu.yield
    }) : () -> ()
    %get3A = arith.constant 0 : index
    %get3A_3 = tpu.vector_load %arg15[%get3A] {strides = array<i32>} : memref<64xf32, #tpu.memory_space<vmem>>, vector<16xf32>,
    %get3A_4 = vector.shape_cast %get3A_3 : vector<16xf32> to vector<16xf32>
    %get3A_5 = arith.constant 16 : index
    %get3A_6 = tpu.vector_load %arg15[%get3A_5] {strides = array<i32>} : memref<64xf32, #tpu.memory_space<vmem>>, vector<16xf32>,
    %get3A_7 = vector.shape_cast %get3A_6 : vector<16xf32> to vector<16xf32>
    %get3A_8 = arith.constant 32 : index
    %get3A_9 = tpu.vector_load %arg15[%get3A_8] {strides = array<i32>} : memref<64xf32, #tpu.memory_space<vmem>>, vector<16xf32>,
    %get3A_10 = vector.shape_cast %get3A_9 : vector<16xf32> to vector<16xf32>
    %get3A_11 = arith.constant 48 : index
    %get3A_12 = tpu.vector_load %arg15[%get3A_11] {strides = array<i32>} : memref<64xf32, #tpu.memory_space<vmem>>, vector<16xf32>,
    %get3A_13 = vector.shape_cast %get3A_12 : vector<16xf32> to vector<16xf32>
    %get3A_14 = arith.constant 0 : index
    %get3A_15 = tpu.vector_load %arg16[%get3A_14] {strides = array<i32>} : memref<64xf32, #tpu.memory_space<vmem>>, vector<16xf32>,
    %get3A_16 = vector.shape_cast %get3A_15 : vector<16xf32> to vector<16xf32>
    %get3A_17 = arith.constant 16 : index
    %get3A_18 = tpu.vector_load %arg16[%get3A_17] {strides = array<i32>} : memref<64xf32, #tpu.memory_space<vmem>>, vector<16xf32>,
    %get3A_19 = vector.shape_cast %get3A_18 : vector<16xf32> to vector<16xf32>
    %get3A_20 = arith.constant 32 : index
    %get3A_21 = tpu.vector_load %arg16[%get3A_20] {strides = array<i32>} : memref<64xf32, #tpu.memory_space<vmem>>, vector<16xf32>,
    %get3A_22 = vector.shape_cast %get3A_21 : vector<16xf32> to vector<16xf32>
    %get3A_23 = arith.constant 48 : index
    %get3A_24 = tpu.vector_load %arg16[%get3A_23] {strides = array<i32>} : memref<64xf32, #tpu.memory_space<vmem>>, vector<16xf32>,
    %get3A_25 = vector.shape_cast %get3A_24 : vector<16xf32> to vector<16xf32>
    %iota3A = tpu.iota {dimensions = array<i32: 0>} : vector<16xi32>
    %xor3A = arith.constant 8 : i32
    %xor3A_26 = vector.broadcast %xor3A : i32 to vector<16xi32>
    %xor3A_27 = arith.xori %iota3A, %xor3A_26 : vector<16xi32>
    %iota3A_28 = tpu.iota {dimensions = array<i32: 0>} : vector<16xi32>
    %xor3A_29 = arith.constant 4 : i32
    %xor3A_30 = vector.broadcast %xor3A_29 : i32 to vector<16xi32>
    %xor3A_31 = arith.xori %iota3A_28, %xor3A_30 : vector<16xi32>
    %iota3A_32 = tpu.iota {dimensions = array<i32: 0>} : vector<16xi32>
    %xor3A_33 = arith.constant 2 : i32
    %xor3A_34 = vector.broadcast %xor3A_33 : i32 to vector<16xi32>
    %xor3A_35 = arith.xori %iota3A_32, %xor3A_34 : vector<16xi32>
    %iota3A_36 = tpu.iota {dimensions = array<i32: 0>} : vector<16xi32>
    %xor3A_37 = arith.constant 1 : i32
    %xor3A_38 = vector.broadcast %xor3A_37 : i32 to vector<16xi32>
    %xor3A_39 = arith.xori %iota3A_36, %xor3A_38 : vector<16xi32>
    %scan3A = arith.constant 0 : i32
    %scan3A_40 = arith.constant 0 : i32
    %mul3A_41 = arith.constant 25600 : i32
    %mul3A_42 = arith.muli %scan3A_40, %mul3A_41 : i32
    %add3A_43 = arith.addi %mul3A_2, %mul3A_42 : i32
    "tpu.region"() ({
      %run_scoped3A = tpu.sem_alloc : memref<!tpu.dma_semaphore, #tpu.memory_space<semaphore_mem>>
      %dma_start3A_95 = tpu.memref_slice %arg3[%add3A_43] : memref<819200xi32, #tpu.memory_space<hbm>> -> memref<25600xi32, #tpu.memory_space<hbm>>
      %dma_start3A_96 = tpu.memref_slice %arg3[%add3A_43] : memref<819200xi32, #tpu.memory_space<hbm>> -> memref<25600xi32, #tpu.memory_space<hbm>>
      tpu.enqueue_dma source(%dma_start3A_96 : memref<25600xi32, #tpu.memory_space<hbm>>) target(%arg9 : memref<25600xi32, #tpu.memory_space<vmem>>) target_semaphore(%run_scoped3A : memref<!tpu.dma_semaphore, #tpu.memory_space<semaphore_mem>>)
      %dma_wait3A_97 = tpu.memref_slice %arg3[%add3A_43] : memref<819200xi32, #tpu.memory_space<hbm>> -> memref<25600xi32, #tpu.memory_space<hbm>>
      %dma_wait3A_98 = tpu.memref_slice %arg3[%add3A_43] : memref<819200xi32, #tpu.memory_space<hbm>> -> memref<25600xi32, #tpu.memory_space<hbm>>
      tpu.wait_dma2 semaphore(%run_scoped3A : memref<!tpu.dma_semaphore, #tpu.memory_space<semaphore_mem>>) src(%dma_wait3A_98 : memref<25600xi32, #tpu.memory_space<hbm>>) dst(%arg9 : memref<25600xi32, #tpu.memory_space<vmem>>)
      tpu.yield
    }) : () -> ()
    "tpu.region"() ({
      %run_scoped3A = tpu.sem_alloc : memref<!tpu.dma_semaphore, #tpu.memory_space<semaphore_mem>>
      %dma_start3A_95 = tpu.memref_slice %arg4[%add3A_43] : memref<819200xi32, #tpu.memory_space<hbm>> -> memref<25600xi32, #tpu.memory_space<hbm>>
      %dma_start3A_96 = tpu.memref_slice %arg4[%add3A_43] : memref<819200xi32, #tpu.memory_space<hbm>> -> memref<25600xi32, #tpu.memory_space<hbm>>
      tpu.enqueue_dma source(%dma_start3A_96 : memref<25600xi32, #tpu.memory_space<hbm>>) target(%arg10 : memref<25600xi32, #tpu.memory_space<vmem>>) target_semaphore(%run_scoped3A : memref<!tpu.dma_semaphore, #tpu.memory_space<semaphore_mem>>)
      %dma_wait3A_97 = tpu.memref_slice %arg4[%add3A_43] : memref<819200xi32, #tpu.memory_space<hbm>> -> memref<25600xi32, #tpu.memory_space<hbm>>
      %dma_wait3A_98 = tpu.memref_slice %arg4[%add3A_43] : memref<819200xi32, #tpu.memory_space<hbm>> -> memref<25600xi32, #tpu.memory_space<hbm>>
      tpu.wait_dma2 semaphore(%run_scoped3A : memref<!tpu.dma_semaphore, #tpu.memory_space<semaphore_mem>>) src(%dma_wait3A_98 : memref<25600xi32, #tpu.memory_space<hbm>>) dst(%arg10 : memref<25600xi32, #tpu.memory_space<vmem>>)
      tpu.yield
    }) : () -> ()
    %parallel_loop3A = arith.constant 0 : i32
    %parallel_loop3A_44 = arith.constant 1600 : i32
    %parallel_loop3A_45 = arith.constant 1 : i32
    scf.for %parallel_loop3A_95 = %parallel_loop3A to %parallel_loop3A_44 step %parallel_loop3A_45  : i32 {
      %parallel_loop3A_96 = arith.constant 16 : i32
      %parallel_loop3A_97 = arith.muli %parallel_loop3A_95, %parallel_loop3A_96 : i32
      %parallel_loop3A_98 = arith.index_cast %parallel_loop3A_97 : i32 to index
      %parallel_loop3A_99 = tpu.vector_load %arg10[%parallel_loop3A_98] {strides = array<i32>} : memref<25600xi32, #tpu.memory_space<vmem>>, vector<16xi32>,
      %parallel_loop3A_100 = vector.shape_cast %parallel_loop3A_99 : vector<16xi32> to vector<16xi32>
      %parallel_loop3A_101 = arith.addi %add3A_43, %parallel_loop3A_97 : i32
      %parallel_loop3A_102 = vector.broadcast %parallel_loop3A_101 : i32 to vector<16xi32>
      %parallel_loop3A_103 = tpu.iota {dimensions = array<i32: 0>} : vector<16xi32>
      %parallel_loop3A_104 = arith.addi %parallel_loop3A_102, %parallel_loop3A_103 : vector<16xi32>
      %parallel_loop3A_105 = arith.constant 200 : i32
      %parallel_loop3A_106 = vector.broadcast %parallel_loop3A_105 : i32 to vector<16xi32>
      %parallel_loop3A_107 = arith.remsi %parallel_loop3A_104, %parallel_loop3A_106 : vector<16xi32>
      %parallel_loop3A_108 = arith.constant 200 : i32
      %parallel_loop3A_109 = vector.broadcast %parallel_loop3A_108 : i32 to vector<16xi32>
      %parallel_loop3A_110 = arith.muli %parallel_loop3A_100, %parallel_loop3A_109 : vector<16xi32>
      %parallel_loop3A_111 = arith.addi %parallel_loop3A_110, %parallel_loop3A_107 : vector<16xi32>
      %parallel_loop3A_112 = arith.index_cast %parallel_loop3A_97 : i32 to index
      %parallel_loop3A_113 = tpu.vector_load %arg10[%parallel_loop3A_112] {strides = array<i32>} : memref<25600xi32, #tpu.memory_space<vmem>>, vector<16xi32>,
      %parallel_loop3A_114 = vector.shape_cast %parallel_loop3A_113 : vector<16xi32> to vector<16xi32>
      %parallel_loop3A_115 = vector.shape_cast %parallel_loop3A_111 : vector<16xi32> to vector<16xi32>
      tpu.vector_store %arg10[%parallel_loop3A_112], %parallel_loop3A_115 {strides = array<i32>} : memref<25600xi32, #tpu.memory_space<vmem>>, vector<16xi32>,
    } {sc.loop_unroll_factor = 2 : i64, sc.parallel_access}
    %dma_start3A = arith.constant 0 : i32
    %dma_start3A_46 = arith.constant 0 : i32
    %dma_start3A_47 = tpu.memref_slice %arg13[%dma_start3A, %dma_start3A_46] : memref<256x64xf32, #tpu.memory_space<vmem>> -> memref<128x64xf32, #tpu.memory_space<vmem>>
    %dma_start3A_48 = arith.constant 0 : i32
    %dma_start3A_49 = tpu.memref_slice %arg10[%dma_start3A_48] : memref<25600xi32, #tpu.memory_space<vmem>> -> memref<128xi32, #tpu.memory_space<vmem>>
    %dma_start3A_50 = arith.constant 0 : i32
    %dma_start3A_51 = arith.constant 0 : i32
    %dma_start3A_52 = tpu.memref_slice %arg5[%dma_start3A_50, %dma_start3A_51] : memref<600x64xf32, #tpu.memory_space<hbm>> -> memref<600x64xf32, #tpu.memory_space<hbm>>
    tpu.enqueue_indirect_dma source(%dma_start3A_52 : memref<600x64xf32, #tpu.memory_space<hbm>>) target(%dma_start3A_47 : memref<128x64xf32, #tpu.memory_space<vmem>>) offsets(%dma_start3A_49 : memref<128xi32, #tpu.memory_space<vmem>>) semaphore(%arg17 : memref<!tpu.dma_semaphore, #tpu.memory_space<semaphore_mem>>)
    %dma_start3A_53 = arith.constant 0 : i32
    %dma_start3A_54 = arith.constant 0 : i32
    %dma_start3A_55 = tpu.memref_slice %arg11[%dma_start3A_53, %dma_start3A_54] : memref<256x64xf32, #tpu.memory_space<vmem>> -> memref<128x64xf32, #tpu.memory_space<vmem>>
    %dma_start3A_56 = arith.constant 0 : i32
    %dma_start3A_57 = tpu.memref_slice %arg9[%dma_start3A_56] : memref<25600xi32, #tpu.memory_space<vmem>> -> memref<128xi32, #tpu.memory_space<vmem>>
    %dma_start3A_58 = arith.constant 0 : i32
    %dma_start3A_59 = arith.constant 0 : i32
    %dma_start3A_60 = tpu.memref_slice %arg2[%dma_start3A_58, %dma_start3A_59] : memref<1000000x64xf32, #tpu.memory_space<hbm>> -> memref<1000000x64xf32, #tpu.memory_space<hbm>>
    tpu.enqueue_indirect_dma source(%dma_start3A_60 : memref<1000000x64xf32, #tpu.memory_space<hbm>>) target(%dma_start3A_55 : memref<128x64xf32, #tpu.memory_space<vmem>>) offsets(%dma_start3A_57 : memref<128xi32, #tpu.memory_space<vmem>>) semaphore(%arg17 : memref<!tpu.dma_semaphore, #tpu.memory_space<semaphore_mem>>)
    %dma_start3A_61 = arith.constant 128 : i32
    %dma_start3A_62 = arith.constant 0 : i32
    %dma_start3A_63 = tpu.memref_slice %arg13[%dma_start3A_61, %dma_start3A_62] : memref<256x64xf32, #tpu.memory_space<vmem>> -> memref<128x64xf32, #tpu.memory_space<vmem>>
    %dma_start3A_64 = arith.constant 128 : i32
    %dma_start3A_65 = tpu.memref_slice %arg10[%dma_start3A_64] : memref<25600xi32, #tpu.memory_space<vmem>> -> memref<128xi32, #tpu.memory_space<vmem>>
    %dma_start3A_66 = arith.constant 0 : i32
    %dma_start3A_67 = arith.constant 0 : i32
    %dma_start3A_68 = tpu.memref_slice %arg5[%dma_start3A_66, %dma_start3A_67] : memref<600x64xf32, #tpu.memory_space<hbm>> -> memref<600x64xf32, #tpu.memory_space<hbm>>
    tpu.enqueue_indirect_dma source(%dma_start3A_68 : memref<600x64xf32, #tpu.memory_space<hbm>>) target(%dma_start3A_63 : memref<128x64xf32, #tpu.memory_space<vmem>>) offsets(%dma_start3A_65 : memref<128xi32, #tpu.memory_space<vmem>>) semaphore(%arg17 : memref<!tpu.dma_semaphore, #tpu.memory_space<semaphore_mem>>)
    %dma_start3A_69 = arith.constant 128 : i32
    %dma_start3A_70 = arith.constant 0 : i32
    %dma_start3A_71 = tpu.memref_slice %arg11[%dma_start3A_69, %dma_start3A_70] : memref<256x64xf32, #tpu.memory_space<vmem>> -> memref<128x64xf32, #tpu.memory_space<vmem>>
    %dma_start3A_72 = arith.constant 128 : i32
    %dma_start3A_73 = tpu.memref_slice %arg9[%dma_start3A_72] : memref<25600xi32, #tpu.memory_space<vmem>> -> memref<128xi32, #tpu.memory_space<vmem>>
    %dma_start3A_74 = arith.constant 0 : i32
    %dma_start3A_75 = arith.constant 0 : i32
    %dma_start3A_76 = tpu.memref_slice %arg2[%dma_start3A_74, %dma_start3A_75] : memref<1000000x64xf32, #tpu.memory_space<hbm>> -> memref<1000000x64xf32, #tpu.memory_space<hbm>>
    tpu.enqueue_indirect_dma source(%dma_start3A_76 : memref<1000000x64xf32, #tpu.memory_space<hbm>>) target(%dma_start3A_71 : memref<128x64xf32, #tpu.memory_space<vmem>>) offsets(%dma_start3A_73 : memref<128xi32, #tpu.memory_space<vmem>>) semaphore(%arg17 : memref<!tpu.dma_semaphore, #tpu.memory_space<semaphore_mem>>)
    %scan3A_77 = arith.constant 0 : i32
    %scan3A_78 = arith.constant 0 : i32
    %scan3A_79 = arith.constant 50 : i32
    %scan3A_80 = arith.addi %scan3A_78, %scan3A_79 : i32
    %scan3A_81 = arith.constant 1 : i32
    scf.for %scan3A_95 = %scan3A_78 to %scan3A_80 step %scan3A_81  : i32 {
      %mul3A_96 = arith.constant 2 : i32
      %mul3A_97 = arith.muli %scan3A_95, %mul3A_96 : i32
      %add3A_98 = arith.constant 0 : i32
      %add3A_99 = arith.addi %mul3A_97, %add3A_98 : i32
      %add3A_100 = arith.constant 1 : i32
      %add3A_101 = arith.addi %add3A_99, %add3A_100 : i32
      %lt3A = arith.constant 100 : i32
      %lt3A_102 = arith.cmpi slt, %add3A_101, %lt3A : i32
      %convert_element_type3A = arith.extui %lt3A_102 : i1 to i32
      %cond3A = arith.constant 0 : i32
      %cond3A_103 = arith.cmpi ne, %convert_element_type3A, %cond3A : i32
      scf.if %cond3A_103 {
        %ge3A = arith.constant 1 : i32
        %ge3A_159 = arith.cmpi sge, %add3A_99, %ge3A : i32
        %convert_element_type3A_160 = arith.extui %ge3A_159 : i1 to i32
        %cond3A_161 = arith.constant 0 : i32
        %cond3A_162 = arith.cmpi ne, %convert_element_type3A_160, %cond3A_161 : i32
        scf.if %cond3A_162 {
          %dma_wait3A_201 = arith.constant 0 : i32
          %dma_wait3A_202 = arith.constant 0 : i32
          %dma_wait3A_203 = tpu.memref_slice %arg8[%dma_wait3A_201, %dma_wait3A_202] : memref<819200x64xf32, #tpu.memory_space<hbm>> -> memref<256x64xf32, #tpu.memory_space<hbm>>
          %dma_wait3A_204 = arith.constant 0 : i32
          %dma_wait3A_205 = arith.constant 0 : i32
          %dma_wait3A_206 = tpu.memref_slice %arg8[%dma_wait3A_204, %dma_wait3A_205] : memref<819200x64xf32, #tpu.memory_space<hbm>> -> memref<256x64xf32, #tpu.memory_space<hbm>>
          tpu.wait_dma2 semaphore(%arg20 : memref<!tpu.dma_semaphore, #tpu.memory_space<semaphore_mem>>) src(%arg12 : memref<256x64xf32, #tpu.memory_space<vmem>>) dst(%dma_wait3A_206 : memref<256x64xf32, #tpu.memory_space<hbm>>)
        } else {
        }
        %add3A_163 = arith.constant 1 : i32
        %add3A_164 = arith.addi %add3A_99, %add3A_163 : i32
        %mul3A_165 = arith.constant 256 : i32
        %mul3A_166 = arith.muli %add3A_164, %mul3A_165 : i32
        %add3A_167 = arith.constant 0 : i32
        %add3A_168 = arith.addi %mul3A_166, %add3A_167 : i32
        %dma_start3A_169 = arith.constant 0 : i32
        %dma_start3A_170 = arith.constant 0 : i32
        %dma_start3A_171 = tpu.memref_slice %arg14[%dma_start3A_169, %dma_start3A_170] : memref<256x64xf32, #tpu.memory_space<vmem>> -> memref<128x64xf32, #tpu.memory_space<vmem>>
        %dma_start3A_172 = tpu.memref_slice %arg10[%add3A_168] : memref<25600xi32, #tpu.memory_space<vmem>> -> memref<128xi32, #tpu.memory_space<vmem>>
        %dma_start3A_173 = arith.constant 0 : i32
        %dma_start3A_174 = arith.constant 0 : i32
        %dma_start3A_175 = tpu.memref_slice %arg5[%dma_start3A_173, %dma_start3A_174] : memref<600x64xf32, #tpu.memory_space<hbm>> -> memref<600x64xf32, #tpu.memory_space<hbm>>
        tpu.enqueue_indirect_dma source(%dma_start3A_175 : memref<600x64xf32, #tpu.memory_space<hbm>>) target(%dma_start3A_171 : memref<128x64xf32, #tpu.memory_space<vmem>>) offsets(%dma_start3A_172 : memref<128xi32, #tpu.memory_space<vmem>>) semaphore(%arg18 : memref<!tpu.dma_semaphore, #tpu.memory_space<semaphore_mem>>)
        %dma_start3A_176 = arith.constant 0 : i32
        %dma_start3A_177 = arith.constant 0 : i32
        %dma_start3A_178 = tpu.memref_slice %arg12[%dma_start3A_176, %dma_start3A_177] : memref<256x64xf32, #tpu.memory_space<vmem>> -> memref<128x64xf32, #tpu.memory_space<vmem>>
        %dma_start3A_179 = tpu.memref_slice %arg9[%add3A_168] : memref<25600xi32, #tpu.memory_space<vmem>> -> memref<128xi32, #tpu.memory_space<vmem>>
        %dma_start3A_180 = arith.constant 0 : i32
        %dma_start3A_181 = arith.constant 0 : i32
        %dma_start3A_182 = tpu.memref_slice %arg2[%dma_start3A_180, %dma_start3A_181] : memref<1000000x64xf32, #tpu.memory_space<hbm>> -> memref<1000000x64xf32, #tpu.memory_space<hbm>>
        tpu.enqueue_indirect_dma source(%dma_start3A_182 : memref<1000000x64xf32, #tpu.memory_space<hbm>>) target(%dma_start3A_178 : memref<128x64xf32, #tpu.memory_space<vmem>>) offsets(%dma_start3A_179 : memref<128xi32, #tpu.memory_space<vmem>>) semaphore(%arg18 : memref<!tpu.dma_semaphore, #tpu.memory_space<semaphore_mem>>)
        %mul3A_183 = arith.constant 256 : i32
        %mul3A_184 = arith.muli %add3A_164, %mul3A_183 : i32
        %add3A_185 = arith.constant 128 : i32
        %add3A_186 = arith.addi %mul3A_184, %add3A_185 : i32
        %dma_start3A_187 = arith.constant 128 : i32
        %dma_start3A_188 = arith.constant 0 : i32
        %dma_start3A_189 = tpu.memref_slice %arg14[%dma_start3A_187, %dma_start3A_188] : memref<256x64xf32, #tpu.memory_space<vmem>> -> memref<128x64xf32, #tpu.memory_space<vmem>>
        %dma_start3A_190 = tpu.memref_slice %arg10[%add3A_186] : memref<25600xi32, #tpu.memory_space<vmem>> -> memref<128xi32, #tpu.memory_space<vmem>>
        %dma_start3A_191 = arith.constant 0 : i32
        %dma_start3A_192 = arith.constant 0 : i32
        %dma_start3A_193 = tpu.memref_slice %arg5[%dma_start3A_191, %dma_start3A_192] : memref<600x64xf32, #tpu.memory_space<hbm>> -> memref<600x64xf32, #tpu.memory_space<hbm>>
        tpu.enqueue_indirect_dma source(%dma_start3A_193 : memref<600x64xf32, #tpu.memory_space<hbm>>) target(%dma_start3A_189 : memref<128x64xf32, #tpu.memory_space<vmem>>) offsets(%dma_start3A_190 : memref<128xi32, #tpu.memory_space<vmem>>) semaphore(%arg18 : memref<!tpu.dma_semaphore, #tpu.memory_space<semaphore_mem>>)
        %dma_start3A_194 = arith.constant 128 : i32
        %dma_start3A_195 = arith.constant 0 : i32
        %dma_start3A_196 = tpu.memref_slice %arg12[%dma_start3A_194, %dma_start3A_195] : memref<256x64xf32, #tpu.memory_space<vmem>> -> memref<128x64xf32, #tpu.memory_space<vmem>>
        %dma_start3A_197 = tpu.memref_slice %arg9[%add3A_186] : memref<25600xi32, #tpu.memory_space<vmem>> -> memref<128xi32, #tpu.memory_space<vmem>>
        %dma_start3A_198 = arith.constant 0 : i32
        %dma_start3A_199 = arith.constant 0 : i32
        %dma_start3A_200 = tpu.memref_slice %arg2[%dma_start3A_198, %dma_start3A_199] : memref<1000000x64xf32, #tpu.memory_space<hbm>> -> memref<1000000x64xf32, #tpu.memory_space<hbm>>
        tpu.enqueue_indirect_dma source(%dma_start3A_200 : memref<1000000x64xf32, #tpu.memory_space<hbm>>) target(%dma_start3A_196 : memref<128x64xf32, #tpu.memory_space<vmem>>) offsets(%dma_start3A_197 : memref<128xi32, #tpu.memory_space<vmem>>) semaphore(%arg18 : memref<!tpu.dma_semaphore, #tpu.memory_space<semaphore_mem>>)
      } else {
      }
      %dma_wait3A_104 = arith.constant 0 : i32
      %dma_wait3A_105 = arith.constant 0 : i32
      %dma_wait3A_106 = tpu.memref_slice %arg8[%dma_wait3A_104, %dma_wait3A_105] : memref<819200x64xf32, #tpu.memory_space<hbm>> -> memref<256x64xf32, #tpu.memory_space<hbm>>
      %dma_wait3A_107 = arith.constant 0 : i32
      %dma_wait3A_108 = arith.constant 0 : i32
      %dma_wait3A_109 = tpu.memref_slice %arg8[%dma_wait3A_107, %dma_wait3A_108] : memref<819200x64xf32, #tpu.memory_space<hbm>> -> memref<256x64xf32, #tpu.memory_space<hbm>>
      tpu.wait_dma2 semaphore(%arg17 : memref<!tpu.dma_semaphore, #tpu.memory_space<semaphore_mem>>) src(%dma_wait3A_109 : memref<256x64xf32, #tpu.memory_space<hbm>>) dst(%arg11 : memref<256x64xf32, #tpu.memory_space<vmem>>)
      %dma_wait3A_110 = arith.constant 0 : i32
      %dma_wait3A_111 = arith.constant 0 : i32
      %dma_wait3A_112 = tpu.memref_slice %arg8[%dma_wait3A_110, %dma_wait3A_111] : memref<819200x64xf32, #tpu.memory_space<hbm>> -> memref<256x64xf32, #tpu.memory_space<hbm>>
      %dma_wait3A_113 = arith.constant 0 : i32
      %dma_wait3A_114 = arith.constant 0 : i32
      %dma_wait3A_115 = tpu.memref_slice %arg8[%dma_wait3A_113, %dma_wait3A_114] : memref<819200x64xf32, #tpu.memory_space<hbm>> -> memref<256x64xf32, #tpu.memory_space<hbm>>
      tpu.wait_dma2 semaphore(%arg17 : memref<!tpu.dma_semaphore, #tpu.memory_space<semaphore_mem>>) src(%dma_wait3A_115 : memref<256x64xf32, #tpu.memory_space<hbm>>) dst(%arg13 : memref<256x64xf32, #tpu.memory_space<vmem>>)
      %parallel_loop3A_116 = arith.constant 0 : i32
      %parallel_loop3A_117 = arith.constant 256 : i32
      %parallel_loop3A_118 = arith.constant 1 : i32
      scf.for %parallel_loop3A_159 = %parallel_loop3A_116 to %parallel_loop3A_117 step %parallel_loop3A_118  : i32 {
        %parallel_loop3A_160 = arith.index_cast %parallel_loop3A_159 : i32 to index
        %parallel_loop3A_161 = arith.constant 0 : index
        %parallel_loop3A_162 = tpu.vector_load %arg11[%parallel_loop3A_160, %parallel_loop3A_161] {strides = array<i32>} : memref<256x64xf32, #tpu.memory_space<vmem>>, vector<1x16xf32>,
        %parallel_loop3A_163 = vector.shape_cast %parallel_loop3A_162 : vector<1x16xf32> to vector<16xf32>
        %parallel_loop3A_164 = arith.index_cast %parallel_loop3A_159 : i32 to index
        %parallel_loop3A_165 = arith.constant 0 : index
        %parallel_loop3A_166 = tpu.vector_load %arg13[%parallel_loop3A_164, %parallel_loop3A_165] {strides = array<i32>} : memref<256x64xf32, #tpu.memory_space<vmem>>, vector<1x16xf32>,
        %parallel_loop3A_167 = vector.shape_cast %parallel_loop3A_166 : vector<1x16xf32> to vector<16xf32>
        %parallel_loop3A_168 = arith.addf %parallel_loop3A_163, %parallel_loop3A_167 : vector<16xf32>
        %parallel_loop3A_169 = arith.index_cast %parallel_loop3A_159 : i32 to index
        %parallel_loop3A_170 = arith.constant 16 : index
        %parallel_loop3A_171 = tpu.vector_load %arg11[%parallel_loop3A_169, %parallel_loop3A_170] {strides = array<i32>} : memref<256x64xf32, #tpu.memory_space<vmem>>, vector<1x16xf32>,
        %parallel_loop3A_172 = vector.shape_cast %parallel_loop3A_171 : vector<1x16xf32> to vector<16xf32>
        %parallel_loop3A_173 = arith.index_cast %parallel_loop3A_159 : i32 to index
        %parallel_loop3A_174 = arith.constant 16 : index
        %parallel_loop3A_175 = tpu.vector_load %arg13[%parallel_loop3A_173, %parallel_loop3A_174] {strides = array<i32>} : memref<256x64xf32, #tpu.memory_space<vmem>>, vector<1x16xf32>,
        %parallel_loop3A_176 = vector.shape_cast %parallel_loop3A_175 : vector<1x16xf32> to vector<16xf32>
        %parallel_loop3A_177 = arith.addf %parallel_loop3A_172, %parallel_loop3A_176 : vector<16xf32>
        %parallel_loop3A_178 = arith.index_cast %parallel_loop3A_159 : i32 to index
        %parallel_loop3A_179 = arith.constant 32 : index
        %parallel_loop3A_180 = tpu.vector_load %arg11[%parallel_loop3A_178, %parallel_loop3A_179] {strides = array<i32>} : memref<256x64xf32, #tpu.memory_space<vmem>>, vector<1x16xf32>,
        %parallel_loop3A_181 = vector.shape_cast %parallel_loop3A_180 : vector<1x16xf32> to vector<16xf32>
        %parallel_loop3A_182 = arith.index_cast %parallel_loop3A_159 : i32 to index
        %parallel_loop3A_183 = arith.constant 32 : index
        %parallel_loop3A_184 = tpu.vector_load %arg13[%parallel_loop3A_182, %parallel_loop3A_183] {strides = array<i32>} : memref<256x64xf32, #tpu.memory_space<vmem>>, vector<1x16xf32>,
        %parallel_loop3A_185 = vector.shape_cast %parallel_loop3A_184 : vector<1x16xf32> to vector<16xf32>
        %parallel_loop3A_186 = arith.addf %parallel_loop3A_181, %parallel_loop3A_185 : vector<16xf32>
        %parallel_loop3A_187 = arith.index_cast %parallel_loop3A_159 : i32 to index
        %parallel_loop3A_188 = arith.constant 48 : index
        %parallel_loop3A_189 = tpu.vector_load %arg11[%parallel_loop3A_187, %parallel_loop3A_188] {strides = array<i32>} : memref<256x64xf32, #tpu.memory_space<vmem>>, vector<1x16xf32>,
        %parallel_loop3A_190 = vector.shape_cast %parallel_loop3A_189 : vector<1x16xf32> to vector<16xf32>
        %parallel_loop3A_191 = arith.index_cast %parallel_loop3A_159 : i32 to index
        %parallel_loop3A_192 = arith.constant 48 : index
        %parallel_loop3A_193 = tpu.vector_load %arg13[%parallel_loop3A_191, %parallel_loop3A_192] {strides = array<i32>} : memref<256x64xf32, #tpu.memory_space<vmem>>, vector<1x16xf32>,
        %parallel_loop3A_194 = vector.shape_cast %parallel_loop3A_193 : vector<1x16xf32> to vector<16xf32>
        %parallel_loop3A_195 = arith.addf %parallel_loop3A_190, %parallel_loop3A_194 : vector<16xf32>
        %parallel_loop3A_196 = arith.addf %parallel_loop3A_168, %parallel_loop3A_177 : vector<16xf32>
        %parallel_loop3A_197 = arith.addf %parallel_loop3A_186, %parallel_loop3A_195 : vector<16xf32>
        %parallel_loop3A_198 = arith.addf %parallel_loop3A_196, %parallel_loop3A_197 : vector<16xf32>
        %parallel_loop3A_199 = arith.mulf %parallel_loop3A_168, %parallel_loop3A_168 : vector<16xf32>
        %parallel_loop3A_200 = arith.mulf %parallel_loop3A_177, %parallel_loop3A_177 : vector<16xf32>
        %parallel_loop3A_201 = arith.addf %parallel_loop3A_199, %parallel_loop3A_200 : vector<16xf32>
        %parallel_loop3A_202 = arith.mulf %parallel_loop3A_186, %parallel_loop3A_186 : vector<16xf32>
        %parallel_loop3A_203 = arith.mulf %parallel_loop3A_195, %parallel_loop3A_195 : vector<16xf32>
        %parallel_loop3A_204 = arith.addf %parallel_loop3A_202, %parallel_loop3A_203 : vector<16xf32>
        %parallel_loop3A_205 = arith.addf %parallel_loop3A_201, %parallel_loop3A_204 : vector<16xf32>
        %parallel_loop3A_206 = vector.shape_cast %xor3A_27 : vector<16xi32> to vector<16x1xi32>
        %parallel_loop3A_207 = vector.shape_cast %parallel_loop3A_206 : vector<16x1xi32> to vector<16xi32>
        %parallel_loop3A_208 = tpu.dynamic_gather %parallel_loop3A_198[%parallel_loop3A_207] in [0] : vector<16xf32>, vector<16xi32> -> vector<16xf32>
        %parallel_loop3A_209 = arith.addf %parallel_loop3A_198, %parallel_loop3A_208 : vector<16xf32>
        %parallel_loop3A_210 = vector.shape_cast %xor3A_31 : vector<16xi32> to vector<16x1xi32>
        %parallel_loop3A_211 = vector.shape_cast %parallel_loop3A_210 : vector<16x1xi32> to vector<16xi32>
        %parallel_loop3A_212 = tpu.dynamic_gather %parallel_loop3A_209[%parallel_loop3A_211] in [0] : vector<16xf32>, vector<16xi32> -> vector<16xf32>
        %parallel_loop3A_213 = arith.addf %parallel_loop3A_209, %parallel_loop3A_212 : vector<16xf32>
        %parallel_loop3A_214 = vector.shape_cast %xor3A_35 : vector<16xi32> to vector<16x1xi32>
        %parallel_loop3A_215 = vector.shape_cast %parallel_loop3A_214 : vector<16x1xi32> to vector<16xi32>
        %parallel_loop3A_216 = tpu.dynamic_gather %parallel_loop3A_213[%parallel_loop3A_215] in [0] : vector<16xf32>, vector<16xi32> -> vector<16xf32>
        %parallel_loop3A_217 = arith.addf %parallel_loop3A_213, %parallel_loop3A_216 : vector<16xf32>
        %parallel_loop3A_218 = vector.shape_cast %xor3A_39 : vector<16xi32> to vector<16x1xi32>
        %parallel_loop3A_219 = vector.shape_cast %parallel_loop3A_218 : vector<16x1xi32> to vector<16xi32>
        %parallel_loop3A_220 = tpu.dynamic_gather %parallel_loop3A_217[%parallel_loop3A_219] in [0] : vector<16xf32>, vector<16xi32> -> vector<16xf32>
        %parallel_loop3A_221 = arith.addf %parallel_loop3A_217, %parallel_loop3A_220 : vector<16xf32>
        %parallel_loop3A_222 = arith.constant 1.562500e-02 : f32
        %parallel_loop3A_223 = vector.broadcast %parallel_loop3A_222 : f32 to vector<16xf32>
        %parallel_loop3A_224 = arith.mulf %parallel_loop3A_221, %parallel_loop3A_223 : vector<16xf32>
        %parallel_loop3A_225 = vector.shape_cast %xor3A_27 : vector<16xi32> to vector<16x1xi32>
        %parallel_loop3A_226 = vector.shape_cast %parallel_loop3A_225 : vector<16x1xi32> to vector<16xi32>
        %parallel_loop3A_227 = tpu.dynamic_gather %parallel_loop3A_205[%parallel_loop3A_226] in [0] : vector<16xf32>, vector<16xi32> -> vector<16xf32>
        %parallel_loop3A_228 = arith.addf %parallel_loop3A_205, %parallel_loop3A_227 : vector<16xf32>
        %parallel_loop3A_229 = vector.shape_cast %xor3A_31 : vector<16xi32> to vector<16x1xi32>
        %parallel_loop3A_230 = vector.shape_cast %parallel_loop3A_229 : vector<16x1xi32> to vector<16xi32>
        %parallel_loop3A_231 = tpu.dynamic_gather %parallel_loop3A_228[%parallel_loop3A_230] in [0] : vector<16xf32>, vector<16xi32> -> vector<16xf32>
        %parallel_loop3A_232 = arith.addf %parallel_loop3A_228, %parallel_loop3A_231 : vector<16xf32>
        %parallel_loop3A_233 = vector.shape_cast %xor3A_35 : vector<16xi32> to vector<16x1xi32>
        %parallel_loop3A_234 = vector.shape_cast %parallel_loop3A_233 : vector<16x1xi32> to vector<16xi32>
        %parallel_loop3A_235 = tpu.dynamic_gather %parallel_loop3A_232[%parallel_loop3A_234] in [0] : vector<16xf32>, vector<16xi32> -> vector<16xf32>
        %parallel_loop3A_236 = arith.addf %parallel_loop3A_232, %parallel_loop3A_235 : vector<16xf32>
        %parallel_loop3A_237 = vector.shape_cast %xor3A_39 : vector<16xi32> to vector<16x1xi32>
        %parallel_loop3A_238 = vector.shape_cast %parallel_loop3A_237 : vector<16x1xi32> to vector<16xi32>
        %parallel_loop3A_239 = tpu.dynamic_gather %parallel_loop3A_236[%parallel_loop3A_238] in [0] : vector<16xf32>, vector<16xi32> -> vector<16xf32>
        %parallel_loop3A_240 = arith.addf %parallel_loop3A_236, %parallel_loop3A_239 : vector<16xf32>
        %parallel_loop3A_241 = arith.constant 1.562500e-02 : f32
        %parallel_loop3A_242 = vector.broadcast %parallel_loop3A_241 : f32 to vector<16xf32>
        %parallel_loop3A_243 = arith.mulf %parallel_loop3A_240, %parallel_loop3A_242 : vector<16xf32>
        %parallel_loop3A_244 = arith.mulf %parallel_loop3A_224, %parallel_loop3A_224 : vector<16xf32>
        %parallel_loop3A_245 = arith.subf %parallel_loop3A_243, %parallel_loop3A_244 : vector<16xf32>
        %parallel_loop3A_246 = arith.constant 9.99999997E-7 : f32
        %parallel_loop3A_247 = vector.broadcast %parallel_loop3A_246 : f32 to vector<16xf32>
        %parallel_loop3A_248 = arith.addf %parallel_loop3A_245, %parallel_loop3A_247 : vector<16xf32>
        %parallel_loop3A_249 = tpu.bitcast %parallel_loop3A_248 : vector<16xf32> -> vector<16xi32>
        %parallel_loop3A_250 = arith.constant 1 : i32
        %parallel_loop3A_251 = vector.broadcast %parallel_loop3A_250 : i32 to vector<16xi32>
        %parallel_loop3A_252 = arith.shrui %parallel_loop3A_249, %parallel_loop3A_251 : vector<16xi32>
        %parallel_loop3A_253 = arith.constant 1597463007 : i32
        %parallel_loop3A_254 = vector.broadcast %parallel_loop3A_253 : i32 to vector<16xi32>
        %parallel_loop3A_255 = arith.subi %parallel_loop3A_254, %parallel_loop3A_252 : vector<16xi32>
        %parallel_loop3A_256 = tpu.bitcast %parallel_loop3A_255 : vector<16xi32> -> vector<16xf32>
        %parallel_loop3A_257 = arith.constant 5.000000e-01 : f32
        %parallel_loop3A_258 = vector.broadcast %parallel_loop3A_257 : f32 to vector<16xf32>
        %parallel_loop3A_259 = arith.mulf %parallel_loop3A_248, %parallel_loop3A_258 : vector<16xf32>
        %parallel_loop3A_260 = arith.mulf %parallel_loop3A_259, %parallel_loop3A_256 : vector<16xf32>
        %parallel_loop3A_261 = arith.mulf %parallel_loop3A_260, %parallel_loop3A_256 : vector<16xf32>
        %parallel_loop3A_262 = arith.constant 1.500000e+00 : f32
        %parallel_loop3A_263 = vector.broadcast %parallel_loop3A_262 : f32 to vector<16xf32>
        %parallel_loop3A_264 = arith.subf %parallel_loop3A_263, %parallel_loop3A_261 : vector<16xf32>
        %parallel_loop3A_265 = arith.mulf %parallel_loop3A_256, %parallel_loop3A_264 : vector<16xf32>
        %parallel_loop3A_266 = arith.mulf %parallel_loop3A_259, %parallel_loop3A_265 : vector<16xf32>
        %parallel_loop3A_267 = arith.mulf %parallel_loop3A_266, %parallel_loop3A_265 : vector<16xf32>
        %parallel_loop3A_268 = arith.constant 1.500000e+00 : f32
        %parallel_loop3A_269 = vector.broadcast %parallel_loop3A_268 : f32 to vector<16xf32>
        %parallel_loop3A_270 = arith.subf %parallel_loop3A_269, %parallel_loop3A_267 : vector<16xf32>
        %parallel_loop3A_271 = arith.mulf %parallel_loop3A_265, %parallel_loop3A_270 : vector<16xf32>
        %parallel_loop3A_272 = arith.subf %parallel_loop3A_168, %parallel_loop3A_224 : vector<16xf32>
        %parallel_loop3A_273 = arith.mulf %parallel_loop3A_272, %parallel_loop3A_271 : vector<16xf32>
        %parallel_loop3A_274 = arith.mulf %parallel_loop3A_273, %get3A_4 : vector<16xf32>
        %parallel_loop3A_275 = arith.addf %parallel_loop3A_274, %get3A_16 : vector<16xf32>
        %parallel_loop3A_276 = arith.index_cast %parallel_loop3A_159 : i32 to index
        %parallel_loop3A_277 = arith.constant 0 : index
        %parallel_loop3A_278 = tpu.vector_load %arg11[%parallel_loop3A_276, %parallel_loop3A_277] {strides = array<i32>} : memref<256x64xf32, #tpu.memory_space<vmem>>, vector<1x16xf32>,
        %parallel_loop3A_279 = vector.shape_cast %parallel_loop3A_278 : vector<1x16xf32> to vector<16xf32>
        %parallel_loop3A_280 = vector.shape_cast %parallel_loop3A_275 : vector<16xf32> to vector<1x16xf32>
        tpu.vector_store %arg11[%parallel_loop3A_276, %parallel_loop3A_277], %parallel_loop3A_280 {strides = array<i32>} : memref<256x64xf32, #tpu.memory_space<vmem>>, vector<1x16xf32>,
        %parallel_loop3A_281 = arith.subf %parallel_loop3A_177, %parallel_loop3A_224 : vector<16xf32>
        %parallel_loop3A_282 = arith.mulf %parallel_loop3A_281, %parallel_loop3A_271 : vector<16xf32>
        %parallel_loop3A_283 = arith.mulf %parallel_loop3A_282, %get3A_7 : vector<16xf32>
        %parallel_loop3A_284 = arith.addf %parallel_loop3A_283, %get3A_19 : vector<16xf32>
        %parallel_loop3A_285 = arith.index_cast %parallel_loop3A_159 : i32 to index
        %parallel_loop3A_286 = arith.constant 16 : index
        %parallel_loop3A_287 = tpu.vector_load %arg11[%parallel_loop3A_285, %parallel_loop3A_286] {strides = array<i32>} : memref<256x64xf32, #tpu.memory_space<vmem>>, vector<1x16xf32>,
        %parallel_loop3A_288 = vector.shape_cast %parallel_loop3A_287 : vector<1x16xf32> to vector<16xf32>
        %parallel_loop3A_289 = vector.shape_cast %parallel_loop3A_284 : vector<16xf32> to vector<1x16xf32>
        tpu.vector_store %arg11[%parallel_loop3A_285, %parallel_loop3A_286], %parallel_loop3A_289 {strides = array<i32>} : memref<256x64xf32, #tpu.memory_space<vmem>>, vector<1x16xf32>,
        %parallel_loop3A_290 = arith.subf %parallel_loop3A_186, %parallel_loop3A_224 : vector<16xf32>
        %parallel_loop3A_291 = arith.mulf %parallel_loop3A_290, %parallel_loop3A_271 : vector<16xf32>
        %parallel_loop3A_292 = arith.mulf %parallel_loop3A_291, %get3A_10 : vector<16xf32>
        %parallel_loop3A_293 = arith.addf %parallel_loop3A_292, %get3A_22 : vector<16xf32>
        %parallel_loop3A_294 = arith.index_cast %parallel_loop3A_159 : i32 to index
        %parallel_loop3A_295 = arith.constant 32 : index
        %parallel_loop3A_296 = tpu.vector_load %arg11[%parallel_loop3A_294, %parallel_loop3A_295] {strides = array<i32>} : memref<256x64xf32, #tpu.memory_space<vmem>>, vector<1x16xf32>,
        %parallel_loop3A_297 = vector.shape_cast %parallel_loop3A_296 : vector<1x16xf32> to vector<16xf32>
        %parallel_loop3A_298 = vector.shape_cast %parallel_loop3A_293 : vector<16xf32> to vector<1x16xf32>
        tpu.vector_store %arg11[%parallel_loop3A_294, %parallel_loop3A_295], %parallel_loop3A_298 {strides = array<i32>} : memref<256x64xf32, #tpu.memory_space<vmem>>, vector<1x16xf32>,
        %parallel_loop3A_299 = arith.subf %parallel_loop3A_195, %parallel_loop3A_224 : vector<16xf32>
        %parallel_loop3A_300 = arith.mulf %parallel_loop3A_299, %parallel_loop3A_271 : vector<16xf32>
        %parallel_loop3A_301 = arith.mulf %parallel_loop3A_300, %get3A_13 : vector<16xf32>
        %parallel_loop3A_302 = arith.addf %parallel_loop3A_301, %get3A_25 : vector<16xf32>
        %parallel_loop3A_303 = arith.index_cast %parallel_loop3A_159 : i32 to index
        %parallel_loop3A_304 = arith.constant 48 : index
        %parallel_loop3A_305 = tpu.vector_load %arg11[%parallel_loop3A_303, %parallel_loop3A_304] {strides = array<i32>} : memref<256x64xf32, #tpu.memory_space<vmem>>, vector<1x16xf32>,
        %parallel_loop3A_306 = vector.shape_cast %parallel_loop3A_305 : vector<1x16xf32> to vector<16xf32>
        %parallel_loop3A_307 = vector.shape_cast %parallel_loop3A_302 : vector<16xf32> to vector<1x16xf32>
        tpu.vector_store %arg11[%parallel_loop3A_303, %parallel_loop3A_304], %parallel_loop3A_307 {strides = array<i32>} : memref<256x64xf32, #tpu.memory_space<vmem>>, vector<1x16xf32>,
      } {sc.loop_unroll_factor = 4 : i64, sc.parallel_access}
      %mul3A_119 = arith.constant 256 : i32
      %mul3A_120 = arith.muli %add3A_99, %mul3A_119 : i32
      %add3A_121 = arith.addi %add3A_43, %mul3A_120 : i32
      %dma_start3A_122 = arith.constant 0 : i32
      %dma_start3A_123 = tpu.memref_slice %arg8[%add3A_121, %dma_start3A_122] : memref<819200x64xf32, #tpu.memory_space<hbm>> -> memref<256x64xf32, #tpu.memory_space<hbm>>
      %dma_start3A_124 = arith.constant 0 : i32
      %dma_start3A_125 = tpu.memref_slice %arg8[%add3A_121, %dma_start3A_124] : memref<819200x64xf32, #tpu.memory_space<hbm>> -> memref<256x64xf32, #tpu.memory_space<hbm>>
      tpu.enqueue_dma source(%arg11 : memref<256x64xf32, #tpu.memory_space<vmem>>) target(%dma_start3A_125 : memref<256x64xf32, #tpu.memory_space<hbm>>) target_semaphore(%arg19 : memref<!tpu.dma_semaphore, #tpu.memory_space<semaphore_mem>>)
      %mul3A_126 = arith.constant 2 : i32
      %mul3A_127 = arith.muli %scan3A_95, %mul3A_126 : i32
      %add3A_128 = arith.constant 1 : i32
      %add3A_129 = arith.addi %mul3A_127, %add3A_128 : i32
      %add3A_130 = arith.constant 1 : i32
      %add3A_131 = arith.addi %add3A_129, %add3A_130 : i32
      %lt3A_132 = arith.constant 100 : i32
      %lt3A_133 = arith.cmpi slt, %add3A_131, %lt3A_132 : i32
      %convert_element_type3A_134 = arith.extui %lt3A_133 : i1 to i32
      %cond3A_135 = arith.constant 0 : i32
      %cond3A_136 = arith.cmpi ne, %convert_element_type3A_134, %cond3A_135 : i32
      scf.if %cond3A_136 {
        %ge3A = arith.constant 1 : i32
        %ge3A_159 = arith.cmpi sge, %add3A_129, %ge3A : i32
        %convert_element_type3A_160 = arith.extui %ge3A_159 : i1 to i32
        %cond3A_161 = arith.constant 0 : i32
        %cond3A_162 = arith.cmpi ne, %convert_element_type3A_160, %cond3A_161 : i32
        scf.if %cond3A_162 {
          %dma_wait3A_201 = arith.constant 0 : i32
          %dma_wait3A_202 = arith.constant 0 : i32
          %dma_wait3A_203 = tpu.memref_slice %arg8[%dma_wait3A_201, %dma_wait3A_202] : memref<819200x64xf32, #tpu.memory_space<hbm>> -> memref<256x64xf32, #tpu.memory_space<hbm>>
          %dma_wait3A_204 = arith.constant 0 : i32
          %dma_wait3A_205 = arith.constant 0 : i32
          %dma_wait3A_206 = tpu.memref_slice %arg8[%dma_wait3A_204, %dma_wait3A_205] : memref<819200x64xf32, #tpu.memory_space<hbm>> -> memref<256x64xf32, #tpu.memory_space<hbm>>
          tpu.wait_dma2 semaphore(%arg19 : memref<!tpu.dma_semaphore, #tpu.memory_space<semaphore_mem>>) src(%arg11 : memref<256x64xf32, #tpu.memory_space<vmem>>) dst(%dma_wait3A_206 : memref<256x64xf32, #tpu.memory_space<hbm>>)
        } else {
        }
        %add3A_163 = arith.constant 1 : i32
        %add3A_164 = arith.addi %add3A_129, %add3A_163 : i32
        %mul3A_165 = arith.constant 256 : i32
        %mul3A_166 = arith.muli %add3A_164, %mul3A_165 : i32
        %add3A_167 = arith.constant 0 : i32
        %add3A_168 = arith.addi %mul3A_166, %add3A_167 : i32
        %dma_start3A_169 = arith.constant 0 : i32
        %dma_start3A_170 = arith.constant 0 : i32
        %dma_start3A_171 = tpu.memref_slice %arg13[%dma_start3A_169, %dma_start3A_170] : memref<256x64xf32, #tpu.memory_space<vmem>> -> memref<128x64xf32, #tpu.memory_space<vmem>>
        %dma_start3A_172 = tpu.memref_slice %arg10[%add3A_168] : memref<25600xi32, #tpu.memory_space<vmem>> -> memref<128xi32, #tpu.memory_space<vmem>>
        %dma_start3A_173 = arith.constant 0 : i32
        %dma_start3A_174 = arith.constant 0 : i32
        %dma_start3A_175 = tpu.memref_slice %arg5[%dma_start3A_173, %dma_start3A_174] : memref<600x64xf32, #tpu.memory_space<hbm>> -> memref<600x64xf32, #tpu.memory_space<hbm>>
        tpu.enqueue_indirect_dma source(%dma_start3A_175 : memref<600x64xf32, #tpu.memory_space<hbm>>) target(%dma_start3A_171 : memref<128x64xf32, #tpu.memory_space<vmem>>) offsets(%dma_start3A_172 : memref<128xi32, #tpu.memory_space<vmem>>) semaphore(%arg17 : memref<!tpu.dma_semaphore, #tpu.memory_space<semaphore_mem>>)
        %dma_start3A_176 = arith.constant 0 : i32
        %dma_start3A_177 = arith.constant 0 : i32
        %dma_start3A_178 = tpu.memref_slice %arg11[%dma_start3A_176, %dma_start3A_177] : memref<256x64xf32, #tpu.memory_space<vmem>> -> memref<128x64xf32, #tpu.memory_space<vmem>>
        %dma_start3A_179 = tpu.memref_slice %arg9[%add3A_168] : memref<25600xi32, #tpu.memory_space<vmem>> -> memref<128xi32, #tpu.memory_space<vmem>>
        %dma_start3A_180 = arith.constant 0 : i32
        %dma_start3A_181 = arith.constant 0 : i32
        %dma_start3A_182 = tpu.memref_slice %arg2[%dma_start3A_180, %dma_start3A_181] : memref<1000000x64xf32, #tpu.memory_space<hbm>> -> memref<1000000x64xf32, #tpu.memory_space<hbm>>
        tpu.enqueue_indirect_dma source(%dma_start3A_182 : memref<1000000x64xf32, #tpu.memory_space<hbm>>) target(%dma_start3A_178 : memref<128x64xf32, #tpu.memory_space<vmem>>) offsets(%dma_start3A_179 : memref<128xi32, #tpu.memory_space<vmem>>) semaphore(%arg17 : memref<!tpu.dma_semaphore, #tpu.memory_space<semaphore_mem>>)
        %mul3A_183 = arith.constant 256 : i32
        %mul3A_184 = arith.muli %add3A_164, %mul3A_183 : i32
        %add3A_185 = arith.constant 128 : i32
        %add3A_186 = arith.addi %mul3A_184, %add3A_185 : i32
        %dma_start3A_187 = arith.constant 128 : i32
        %dma_start3A_188 = arith.constant 0 : i32
        %dma_start3A_189 = tpu.memref_slice %arg13[%dma_start3A_187, %dma_start3A_188] : memref<256x64xf32, #tpu.memory_space<vmem>> -> memref<128x64xf32, #tpu.memory_space<vmem>>
        %dma_start3A_190 = tpu.memref_slice %arg10[%add3A_186] : memref<25600xi32, #tpu.memory_space<vmem>> -> memref<128xi32, #tpu.memory_space<vmem>>
        %dma_start3A_191 = arith.constant 0 : i32
        %dma_start3A_192 = arith.constant 0 : i32
        %dma_start3A_193 = tpu.memref_slice %arg5[%dma_start3A_191, %dma_start3A_192] : memref<600x64xf32, #tpu.memory_space<hbm>> -> memref<600x64xf32, #tpu.memory_space<hbm>>
        tpu.enqueue_indirect_dma source(%dma_start3A_193 : memref<600x64xf32, #tpu.memory_space<hbm>>) target(%dma_start3A_189 : memref<128x64xf32, #tpu.memory_space<vmem>>) offsets(%dma_start3A_190 : memref<128xi32, #tpu.memory_space<vmem>>) semaphore(%arg17 : memref<!tpu.dma_semaphore, #tpu.memory_space<semaphore_mem>>)
        %dma_start3A_194 = arith.constant 128 : i32
        %dma_start3A_195 = arith.constant 0 : i32
        %dma_start3A_196 = tpu.memref_slice %arg11[%dma_start3A_194, %dma_start3A_195] : memref<256x64xf32, #tpu.memory_space<vmem>> -> memref<128x64xf32, #tpu.memory_space<vmem>>
        %dma_start3A_197 = tpu.memref_slice %arg9[%add3A_186] : memref<25600xi32, #tpu.memory_space<vmem>> -> memref<128xi32, #tpu.memory_space<vmem>>
        %dma_start3A_198 = arith.constant 0 : i32
        %dma_start3A_199 = arith.constant 0 : i32
        %dma_start3A_200 = tpu.memref_slice %arg2[%dma_start3A_198, %dma_start3A_199] : memref<1000000x64xf32, #tpu.memory_space<hbm>> -> memref<1000000x64xf32, #tpu.memory_space<hbm>>
        tpu.enqueue_indirect_dma source(%dma_start3A_200 : memref<1000000x64xf32, #tpu.memory_space<hbm>>) target(%dma_start3A_196 : memref<128x64xf32, #tpu.memory_space<vmem>>) offsets(%dma_start3A_197 : memref<128xi32, #tpu.memory_space<vmem>>) semaphore(%arg17 : memref<!tpu.dma_semaphore, #tpu.memory_space<semaphore_mem>>)
      } else {
      }
      %dma_wait3A_137 = arith.constant 0 : i32
      %dma_wait3A_138 = arith.constant 0 : i32
      %dma_wait3A_139 = tpu.memref_slice %arg8[%dma_wait3A_137, %dma_wait3A_138] : memref<819200x64xf32, #tpu.memory_space<hbm>> -> memref<256x64xf32, #tpu.memory_space<hbm>>
      %dma_wait3A_140 = arith.constant 0 : i32
      %dma_wait3A_141 = arith.constant 0 : i32
      %dma_wait3A_142 = tpu.memref_slice %arg8[%dma_wait3A_140, %dma_wait3A_141] : memref<819200x64xf32, #tpu.memory_space<hbm>> -> memref<256x64xf32, #tpu.memory_space<hbm>>
      tpu.wait_dma2 semaphore(%arg18 : memref<!tpu.dma_semaphore, #tpu.memory_space<semaphore_mem>>) src(%dma_wait3A_142 : memref<256x64xf32, #tpu.memory_space<hbm>>) dst(%arg12 : memref<256x64xf32, #tpu.memory_space<vmem>>)
      %dma_wait3A_143 = arith.constant 0 : i32
      %dma_wait3A_144 = arith.constant 0 : i32
      %dma_wait3A_145 = tpu.memref_slice %arg8[%dma_wait3A_143, %dma_wait3A_144] : memref<819200x64xf32, #tpu.memory_space<hbm>> -> memref<256x64xf32, #tpu.memory_space<hbm>>
      %dma_wait3A_146 = arith.constant 0 : i32
      %dma_wait3A_147 = arith.constant 0 : i32
      %dma_wait3A_148 = tpu.memref_slice %arg8[%dma_wait3A_146, %dma_wait3A_147] : memref<819200x64xf32, #tpu.memory_space<hbm>> -> memref<256x64xf32, #tpu.memory_space<hbm>>
      tpu.wait_dma2 semaphore(%arg18 : memref<!tpu.dma_semaphore, #tpu.memory_space<semaphore_mem>>) src(%dma_wait3A_148 : memref<256x64xf32, #tpu.memory_space<hbm>>) dst(%arg14 : memref<256x64xf32, #tpu.memory_space<vmem>>)
      %parallel_loop3A_149 = arith.constant 0 : i32
      %parallel_loop3A_150 = arith.constant 256 : i32
      %parallel_loop3A_151 = arith.constant 1 : i32
      scf.for %parallel_loop3A_159 = %parallel_loop3A_149 to %parallel_loop3A_150 step %parallel_loop3A_151  : i32 {
        %parallel_loop3A_160 = arith.index_cast %parallel_loop3A_159 : i32 to index
        %parallel_loop3A_161 = arith.constant 0 : index
        %parallel_loop3A_162 = tpu.vector_load %arg12[%parallel_loop3A_160, %parallel_loop3A_161] {strides = array<i32>} : memref<256x64xf32, #tpu.memory_space<vmem>>, vector<1x16xf32>,
        %parallel_loop3A_163 = vector.shape_cast %parallel_loop3A_162 : vector<1x16xf32> to vector<16xf32>
        %parallel_loop3A_164 = arith.index_cast %parallel_loop3A_159 : i32 to index
        %parallel_loop3A_165 = arith.constant 0 : index
        %parallel_loop3A_166 = tpu.vector_load %arg14[%parallel_loop3A_164, %parallel_loop3A_165] {strides = array<i32>} : memref<256x64xf32, #tpu.memory_space<vmem>>, vector<1x16xf32>,
        %parallel_loop3A_167 = vector.shape_cast %parallel_loop3A_166 : vector<1x16xf32> to vector<16xf32>
        %parallel_loop3A_168 = arith.addf %parallel_loop3A_163, %parallel_loop3A_167 : vector<16xf32>
        %parallel_loop3A_169 = arith.index_cast %parallel_loop3A_159 : i32 to index
        %parallel_loop3A_170 = arith.constant 16 : index
        %parallel_loop3A_171 = tpu.vector_load %arg12[%parallel_loop3A_169, %parallel_loop3A_170] {strides = array<i32>} : memref<256x64xf32, #tpu.memory_space<vmem>>, vector<1x16xf32>,
        %parallel_loop3A_172 = vector.shape_cast %parallel_loop3A_171 : vector<1x16xf32> to vector<16xf32>
        %parallel_loop3A_173 = arith.index_cast %parallel_loop3A_159 : i32 to index
        %parallel_loop3A_174 = arith.constant 16 : index
        %parallel_loop3A_175 = tpu.vector_load %arg14[%parallel_loop3A_173, %parallel_loop3A_174] {strides = array<i32>} : memref<256x64xf32, #tpu.memory_space<vmem>>, vector<1x16xf32>,
        %parallel_loop3A_176 = vector.shape_cast %parallel_loop3A_175 : vector<1x16xf32> to vector<16xf32>
        %parallel_loop3A_177 = arith.addf %parallel_loop3A_172, %parallel_loop3A_176 : vector<16xf32>
        %parallel_loop3A_178 = arith.index_cast %parallel_loop3A_159 : i32 to index
        %parallel_loop3A_179 = arith.constant 32 : index
        %parallel_loop3A_180 = tpu.vector_load %arg12[%parallel_loop3A_178, %parallel_loop3A_179] {strides = array<i32>} : memref<256x64xf32, #tpu.memory_space<vmem>>, vector<1x16xf32>,
        %parallel_loop3A_181 = vector.shape_cast %parallel_loop3A_180 : vector<1x16xf32> to vector<16xf32>
        %parallel_loop3A_182 = arith.index_cast %parallel_loop3A_159 : i32 to index
        %parallel_loop3A_183 = arith.constant 32 : index
        %parallel_loop3A_184 = tpu.vector_load %arg14[%parallel_loop3A_182, %parallel_loop3A_183] {strides = array<i32>} : memref<256x64xf32, #tpu.memory_space<vmem>>, vector<1x16xf32>,
        %parallel_loop3A_185 = vector.shape_cast %parallel_loop3A_184 : vector<1x16xf32> to vector<16xf32>
        %parallel_loop3A_186 = arith.addf %parallel_loop3A_181, %parallel_loop3A_185 : vector<16xf32>
        %parallel_loop3A_187 = arith.index_cast %parallel_loop3A_159 : i32 to index
        %parallel_loop3A_188 = arith.constant 48 : index
        %parallel_loop3A_189 = tpu.vector_load %arg12[%parallel_loop3A_187, %parallel_loop3A_188] {strides = array<i32>} : memref<256x64xf32, #tpu.memory_space<vmem>>, vector<1x16xf32>,
        %parallel_loop3A_190 = vector.shape_cast %parallel_loop3A_189 : vector<1x16xf32> to vector<16xf32>
        %parallel_loop3A_191 = arith.index_cast %parallel_loop3A_159 : i32 to index
        %parallel_loop3A_192 = arith.constant 48 : index
        %parallel_loop3A_193 = tpu.vector_load %arg14[%parallel_loop3A_191, %parallel_loop3A_192] {strides = array<i32>} : memref<256x64xf32, #tpu.memory_space<vmem>>, vector<1x16xf32>,
        %parallel_loop3A_194 = vector.shape_cast %parallel_loop3A_193 : vector<1x16xf32> to vector<16xf32>
        %parallel_loop3A_195 = arith.addf %parallel_loop3A_190, %parallel_loop3A_194 : vector<16xf32>
        %parallel_loop3A_196 = arith.addf %parallel_loop3A_168, %parallel_loop3A_177 : vector<16xf32>
        %parallel_loop3A_197 = arith.addf %parallel_loop3A_186, %parallel_loop3A_195 : vector<16xf32>
        %parallel_loop3A_198 = arith.addf %parallel_loop3A_196, %parallel_loop3A_197 : vector<16xf32>
        %parallel_loop3A_199 = arith.mulf %parallel_loop3A_168, %parallel_loop3A_168 : vector<16xf32>
        %parallel_loop3A_200 = arith.mulf %parallel_loop3A_177, %parallel_loop3A_177 : vector<16xf32>
        %parallel_loop3A_201 = arith.addf %parallel_loop3A_199, %parallel_loop3A_200 : vector<16xf32>
        %parallel_loop3A_202 = arith.mulf %parallel_loop3A_186, %parallel_loop3A_186 : vector<16xf32>
        %parallel_loop3A_203 = arith.mulf %parallel_loop3A_195, %parallel_loop3A_195 : vector<16xf32>
        %parallel_loop3A_204 = arith.addf %parallel_loop3A_202, %parallel_loop3A_203 : vector<16xf32>
        %parallel_loop3A_205 = arith.addf %parallel_loop3A_201, %parallel_loop3A_204 : vector<16xf32>
        %parallel_loop3A_206 = vector.shape_cast %xor3A_27 : vector<16xi32> to vector<16x1xi32>
        %parallel_loop3A_207 = vector.shape_cast %parallel_loop3A_206 : vector<16x1xi32> to vector<16xi32>
        %parallel_loop3A_208 = tpu.dynamic_gather %parallel_loop3A_198[%parallel_loop3A_207] in [0] : vector<16xf32>, vector<16xi32> -> vector<16xf32>
        %parallel_loop3A_209 = arith.addf %parallel_loop3A_198, %parallel_loop3A_208 : vector<16xf32>
        %parallel_loop3A_210 = vector.shape_cast %xor3A_31 : vector<16xi32> to vector<16x1xi32>
        %parallel_loop3A_211 = vector.shape_cast %parallel_loop3A_210 : vector<16x1xi32> to vector<16xi32>
        %parallel_loop3A_212 = tpu.dynamic_gather %parallel_loop3A_209[%parallel_loop3A_211] in [0] : vector<16xf32>, vector<16xi32> -> vector<16xf32>
        %parallel_loop3A_213 = arith.addf %parallel_loop3A_209, %parallel_loop3A_212 : vector<16xf32>
        %parallel_loop3A_214 = vector.shape_cast %xor3A_35 : vector<16xi32> to vector<16x1xi32>
        %parallel_loop3A_215 = vector.shape_cast %parallel_loop3A_214 : vector<16x1xi32> to vector<16xi32>
        %parallel_loop3A_216 = tpu.dynamic_gather %parallel_loop3A_213[%parallel_loop3A_215] in [0] : vector<16xf32>, vector<16xi32> -> vector<16xf32>
        %parallel_loop3A_217 = arith.addf %parallel_loop3A_213, %parallel_loop3A_216 : vector<16xf32>
        %parallel_loop3A_218 = vector.shape_cast %xor3A_39 : vector<16xi32> to vector<16x1xi32>
        %parallel_loop3A_219 = vector.shape_cast %parallel_loop3A_218 : vector<16x1xi32> to vector<16xi32>
        %parallel_loop3A_220 = tpu.dynamic_gather %parallel_loop3A_217[%parallel_loop3A_219] in [0] : vector<16xf32>, vector<16xi32> -> vector<16xf32>
        %parallel_loop3A_221 = arith.addf %parallel_loop3A_217, %parallel_loop3A_220 : vector<16xf32>
        %parallel_loop3A_222 = arith.constant 1.562500e-02 : f32
        %parallel_loop3A_223 = vector.broadcast %parallel_loop3A_222 : f32 to vector<16xf32>
        %parallel_loop3A_224 = arith.mulf %parallel_loop3A_221, %parallel_loop3A_223 : vector<16xf32>
        %parallel_loop3A_225 = vector.shape_cast %xor3A_27 : vector<16xi32> to vector<16x1xi32>
        %parallel_loop3A_226 = vector.shape_cast %parallel_loop3A_225 : vector<16x1xi32> to vector<16xi32>
        %parallel_loop3A_227 = tpu.dynamic_gather %parallel_loop3A_205[%parallel_loop3A_226] in [0] : vector<16xf32>, vector<16xi32> -> vector<16xf32>
        %parallel_loop3A_228 = arith.addf %parallel_loop3A_205, %parallel_loop3A_227 : vector<16xf32>
        %parallel_loop3A_229 = vector.shape_cast %xor3A_31 : vector<16xi32> to vector<16x1xi32>
        %parallel_loop3A_230 = vector.shape_cast %parallel_loop3A_229 : vector<16x1xi32> to vector<16xi32>
        %parallel_loop3A_231 = tpu.dynamic_gather %parallel_loop3A_228[%parallel_loop3A_230] in [0] : vector<16xf32>, vector<16xi32> -> vector<16xf32>
        %parallel_loop3A_232 = arith.addf %parallel_loop3A_228, %parallel_loop3A_231 : vector<16xf32>
        %parallel_loop3A_233 = vector.shape_cast %xor3A_35 : vector<16xi32> to vector<16x1xi32>
        %parallel_loop3A_234 = vector.shape_cast %parallel_loop3A_233 : vector<16x1xi32> to vector<16xi32>
        %parallel_loop3A_235 = tpu.dynamic_gather %parallel_loop3A_232[%parallel_loop3A_234] in [0] : vector<16xf32>, vector<16xi32> -> vector<16xf32>
        %parallel_loop3A_236 = arith.addf %parallel_loop3A_232, %parallel_loop3A_235 : vector<16xf32>
        %parallel_loop3A_237 = vector.shape_cast %xor3A_39 : vector<16xi32> to vector<16x1xi32>
        %parallel_loop3A_238 = vector.shape_cast %parallel_loop3A_237 : vector<16x1xi32> to vector<16xi32>
        %parallel_loop3A_239 = tpu.dynamic_gather %parallel_loop3A_236[%parallel_loop3A_238] in [0] : vector<16xf32>, vector<16xi32> -> vector<16xf32>
        %parallel_loop3A_240 = arith.addf %parallel_loop3A_236, %parallel_loop3A_239 : vector<16xf32>
        %parallel_loop3A_241 = arith.constant 1.562500e-02 : f32
        %parallel_loop3A_242 = vector.broadcast %parallel_loop3A_241 : f32 to vector<16xf32>
        %parallel_loop3A_243 = arith.mulf %parallel_loop3A_240, %parallel_loop3A_242 : vector<16xf32>
        %parallel_loop3A_244 = arith.mulf %parallel_loop3A_224, %parallel_loop3A_224 : vector<16xf32>
        %parallel_loop3A_245 = arith.subf %parallel_loop3A_243, %parallel_loop3A_244 : vector<16xf32>
        %parallel_loop3A_246 = arith.constant 9.99999997E-7 : f32
        %parallel_loop3A_247 = vector.broadcast %parallel_loop3A_246 : f32 to vector<16xf32>
        %parallel_loop3A_248 = arith.addf %parallel_loop3A_245, %parallel_loop3A_247 : vector<16xf32>
        %parallel_loop3A_249 = tpu.bitcast %parallel_loop3A_248 : vector<16xf32> -> vector<16xi32>
        %parallel_loop3A_250 = arith.constant 1 : i32
        %parallel_loop3A_251 = vector.broadcast %parallel_loop3A_250 : i32 to vector<16xi32>
        %parallel_loop3A_252 = arith.shrui %parallel_loop3A_249, %parallel_loop3A_251 : vector<16xi32>
        %parallel_loop3A_253 = arith.constant 1597463007 : i32
        %parallel_loop3A_254 = vector.broadcast %parallel_loop3A_253 : i32 to vector<16xi32>
        %parallel_loop3A_255 = arith.subi %parallel_loop3A_254, %parallel_loop3A_252 : vector<16xi32>
        %parallel_loop3A_256 = tpu.bitcast %parallel_loop3A_255 : vector<16xi32> -> vector<16xf32>
        %parallel_loop3A_257 = arith.constant 5.000000e-01 : f32
        %parallel_loop3A_258 = vector.broadcast %parallel_loop3A_257 : f32 to vector<16xf32>
        %parallel_loop3A_259 = arith.mulf %parallel_loop3A_248, %parallel_loop3A_258 : vector<16xf32>
        %parallel_loop3A_260 = arith.mulf %parallel_loop3A_259, %parallel_loop3A_256 : vector<16xf32>
        %parallel_loop3A_261 = arith.mulf %parallel_loop3A_260, %parallel_loop3A_256 : vector<16xf32>
        %parallel_loop3A_262 = arith.constant 1.500000e+00 : f32
        %parallel_loop3A_263 = vector.broadcast %parallel_loop3A_262 : f32 to vector<16xf32>
        %parallel_loop3A_264 = arith.subf %parallel_loop3A_263, %parallel_loop3A_261 : vector<16xf32>
        %parallel_loop3A_265 = arith.mulf %parallel_loop3A_256, %parallel_loop3A_264 : vector<16xf32>
        %parallel_loop3A_266 = arith.mulf %parallel_loop3A_259, %parallel_loop3A_265 : vector<16xf32>
        %parallel_loop3A_267 = arith.mulf %parallel_loop3A_266, %parallel_loop3A_265 : vector<16xf32>
        %parallel_loop3A_268 = arith.constant 1.500000e+00 : f32
        %parallel_loop3A_269 = vector.broadcast %parallel_loop3A_268 : f32 to vector<16xf32>
        %parallel_loop3A_270 = arith.subf %parallel_loop3A_269, %parallel_loop3A_267 : vector<16xf32>
        %parallel_loop3A_271 = arith.mulf %parallel_loop3A_265, %parallel_loop3A_270 : vector<16xf32>
        %parallel_loop3A_272 = arith.subf %parallel_loop3A_168, %parallel_loop3A_224 : vector<16xf32>
        %parallel_loop3A_273 = arith.mulf %parallel_loop3A_272, %parallel_loop3A_271 : vector<16xf32>
        %parallel_loop3A_274 = arith.mulf %parallel_loop3A_273, %get3A_4 : vector<16xf32>
        %parallel_loop3A_275 = arith.addf %parallel_loop3A_274, %get3A_16 : vector<16xf32>
        %parallel_loop3A_276 = arith.index_cast %parallel_loop3A_159 : i32 to index
        %parallel_loop3A_277 = arith.constant 0 : index
        %parallel_loop3A_278 = tpu.vector_load %arg12[%parallel_loop3A_276, %parallel_loop3A_277] {strides = array<i32>} : memref<256x64xf32, #tpu.memory_space<vmem>>, vector<1x16xf32>,
        %parallel_loop3A_279 = vector.shape_cast %parallel_loop3A_278 : vector<1x16xf32> to vector<16xf32>
        %parallel_loop3A_280 = vector.shape_cast %parallel_loop3A_275 : vector<16xf32> to vector<1x16xf32>
        tpu.vector_store %arg12[%parallel_loop3A_276, %parallel_loop3A_277], %parallel_loop3A_280 {strides = array<i32>} : memref<256x64xf32, #tpu.memory_space<vmem>>, vector<1x16xf32>,
        %parallel_loop3A_281 = arith.subf %parallel_loop3A_177, %parallel_loop3A_224 : vector<16xf32>
        %parallel_loop3A_282 = arith.mulf %parallel_loop3A_281, %parallel_loop3A_271 : vector<16xf32>
        %parallel_loop3A_283 = arith.mulf %parallel_loop3A_282, %get3A_7 : vector<16xf32>
        %parallel_loop3A_284 = arith.addf %parallel_loop3A_283, %get3A_19 : vector<16xf32>
        %parallel_loop3A_285 = arith.index_cast %parallel_loop3A_159 : i32 to index
        %parallel_loop3A_286 = arith.constant 16 : index
        %parallel_loop3A_287 = tpu.vector_load %arg12[%parallel_loop3A_285, %parallel_loop3A_286] {strides = array<i32>} : memref<256x64xf32, #tpu.memory_space<vmem>>, vector<1x16xf32>,
        %parallel_loop3A_288 = vector.shape_cast %parallel_loop3A_287 : vector<1x16xf32> to vector<16xf32>
        %parallel_loop3A_289 = vector.shape_cast %parallel_loop3A_284 : vector<16xf32> to vector<1x16xf32>
        tpu.vector_store %arg12[%parallel_loop3A_285, %parallel_loop3A_286], %parallel_loop3A_289 {strides = array<i32>} : memref<256x64xf32, #tpu.memory_space<vmem>>, vector<1x16xf32>,
        %parallel_loop3A_290 = arith.subf %parallel_loop3A_186, %parallel_loop3A_224 : vector<16xf32>
        %parallel_loop3A_291 = arith.mulf %parallel_loop3A_290, %parallel_loop3A_271 : vector<16xf32>
        %parallel_loop3A_292 = arith.mulf %parallel_loop3A_291, %get3A_10 : vector<16xf32>
        %parallel_loop3A_293 = arith.addf %parallel_loop3A_292, %get3A_22 : vector<16xf32>
        %parallel_loop3A_294 = arith.index_cast %parallel_loop3A_159 : i32 to index
        %parallel_loop3A_295 = arith.constant 32 : index
        %parallel_loop3A_296 = tpu.vector_load %arg12[%parallel_loop3A_294, %parallel_loop3A_295] {strides = array<i32>} : memref<256x64xf32, #tpu.memory_space<vmem>>, vector<1x16xf32>,
        %parallel_loop3A_297 = vector.shape_cast %parallel_loop3A_296 : vector<1x16xf32> to vector<16xf32>
        %parallel_loop3A_298 = vector.shape_cast %parallel_loop3A_293 : vector<16xf32> to vector<1x16xf32>
        tpu.vector_store %arg12[%parallel_loop3A_294, %parallel_loop3A_295], %parallel_loop3A_298 {strides = array<i32>} : memref<256x64xf32, #tpu.memory_space<vmem>>, vector<1x16xf32>,
        %parallel_loop3A_299 = arith.subf %parallel_loop3A_195, %parallel_loop3A_224 : vector<16xf32>
        %parallel_loop3A_300 = arith.mulf %parallel_loop3A_299, %parallel_loop3A_271 : vector<16xf32>
        %parallel_loop3A_301 = arith.mulf %parallel_loop3A_300, %get3A_13 : vector<16xf32>
        %parallel_loop3A_302 = arith.addf %parallel_loop3A_301, %get3A_25 : vector<16xf32>
        %parallel_loop3A_303 = arith.index_cast %parallel_loop3A_159 : i32 to index
        %parallel_loop3A_304 = arith.constant 48 : index
        %parallel_loop3A_305 = tpu.vector_load %arg12[%parallel_loop3A_303, %parallel_loop3A_304] {strides = array<i32>} : memref<256x64xf32, #tpu.memory_space<vmem>>, vector<1x16xf32>,
        %parallel_loop3A_306 = vector.shape_cast %parallel_loop3A_305 : vector<1x16xf32> to vector<16xf32>
        %parallel_loop3A_307 = vector.shape_cast %parallel_loop3A_302 : vector<16xf32> to vector<1x16xf32>
        tpu.vector_store %arg12[%parallel_loop3A_303, %parallel_loop3A_304], %parallel_loop3A_307 {strides = array<i32>} : memref<256x64xf32, #tpu.memory_space<vmem>>, vector<1x16xf32>,
      } {sc.loop_unroll_factor = 4 : i64, sc.parallel_access}
      %mul3A_152 = arith.constant 256 : i32
      %mul3A_153 = arith.muli %add3A_129, %mul3A_152 : i32
      %add3A_154 = arith.addi %add3A_43, %mul3A_153 : i32
      %dma_start3A_155 = arith.constant 0 : i32
      %dma_start3A_156 = tpu.memref_slice %arg8[%add3A_154, %dma_start3A_155] : memref<819200x64xf32, #tpu.memory_space<hbm>> -> memref<256x64xf32, #tpu.memory_space<hbm>>
      %dma_start3A_157 = arith.constant 0 : i32
      %dma_start3A_158 = tpu.memref_slice %arg8[%add3A_154, %dma_start3A_157] : memref<819200x64xf32, #tpu.memory_space<hbm>> -> memref<256x64xf32, #tpu.memory_space<hbm>>
      tpu.enqueue_dma source(%arg12 : memref<256x64xf32, #tpu.memory_space<vmem>>) target(%dma_start3A_158 : memref<256x64xf32, #tpu.memory_space<hbm>>) target_semaphore(%arg20 : memref<!tpu.dma_semaphore, #tpu.memory_space<semaphore_mem>>)
    }
    %scan3A_82 = arith.constant 50 : i32
    %dma_wait3A = arith.constant 0 : i32
    %dma_wait3A_83 = arith.constant 0 : i32
    %dma_wait3A_84 = tpu.memref_slice %arg8[%dma_wait3A, %dma_wait3A_83] : memref<819200x64xf32, #tpu.memory_space<hbm>> -> memref<256x64xf32, #tpu.memory_space<hbm>>
    %dma_wait3A_85 = arith.constant 0 : i32
    %dma_wait3A_86 = arith.constant 0 : i32
    %dma_wait3A_87 = tpu.memref_slice %arg8[%dma_wait3A_85, %dma_wait3A_86] : memref<819200x64xf32, #tpu.memory_space<hbm>> -> memref<256x64xf32, #tpu.memory_space<hbm>>
    tpu.wait_dma2 semaphore(%arg19 : memref<!tpu.dma_semaphore, #tpu.memory_space<semaphore_mem>>) src(%arg11 : memref<256x64xf32, #tpu.memory_space<vmem>>) dst(%dma_wait3A_87 : memref<256x64xf32, #tpu.memory_space<hbm>>)
    %dma_wait3A_88 = arith.constant 0 : i32
    %dma_wait3A_89 = arith.constant 0 : i32
    %dma_wait3A_90 = tpu.memref_slice %arg8[%dma_wait3A_88, %dma_wait3A_89] : memref<819200x64xf32, #tpu.memory_space<hbm>> -> memref<256x64xf32, #tpu.memory_space<hbm>>
    %dma_wait3A_91 = arith.constant 0 : i32
    %dma_wait3A_92 = arith.constant 0 : i32
    %dma_wait3A_93 = tpu.memref_slice %arg8[%dma_wait3A_91, %dma_wait3A_92] : memref<819200x64xf32, #tpu.memory_space<hbm>> -> memref<256x64xf32, #tpu.memory_space<hbm>>
    tpu.wait_dma2 semaphore(%arg20 : memref<!tpu.dma_semaphore, #tpu.memory_space<semaphore_mem>>) src(%arg12 : memref<256x64xf32, #tpu.memory_space<vmem>>) dst(%dma_wait3A_93 : memref<256x64xf32, #tpu.memory_space<hbm>>)
    %scan3A_94 = arith.constant 1 : i32
    return
  }
}

module attributes {stable_mosaic.version = 14 : i64} {
  func.func @_comb_body(%arg0: memref<200x64xf32, #tpu.memory_space<vmem>>, %arg1: memref<3x64xf32, #tpu.memory_space<vmem>>, %arg2: memref<3x200x64xf32, #tpu.memory_space<vmem>>) attributes {dimension_semantics = [], scalar_prefetch = 0 : i64, scratch_operands = 0 : i64, tpu.core_type = #tpu.core_type<tc>} {
    %get3A = arith.constant 0 : index
    %get3A_0 = arith.constant 0 : index
    %get3A_1 = vector.load %arg1[%get3A, %get3A_0] : memref<3x64xf32, #tpu.memory_space<vmem>>, vector<3x64xf32>
    %broadcast_in_dim3A = vector.shape_cast %get3A_1 : vector<3x64xf32> to vector<3x1x64xf32>
    %get3A_2 = arith.constant 0 : index
    %get3A_3 = arith.constant 0 : index
    %get3A_4 = vector.load %arg0[%get3A_2, %get3A_3] : memref<200x64xf32, #tpu.memory_space<vmem>>, vector<200x64xf32>
    %broadcast_in_dim3A_5 = vector.shape_cast %get3A_4 : vector<200x64xf32> to vector<1x200x64xf32>
    %add3A = vector.broadcast %broadcast_in_dim3A : vector<3x1x64xf32> to vector<3x200x64xf32>
    %add3A_6 = vector.broadcast %broadcast_in_dim3A_5 : vector<1x200x64xf32> to vector<3x200x64xf32>
    %add3A_7 = arith.addf %add3A, %add3A_6 : vector<3x200x64xf32>
    %swap3A = arith.constant 0 : index
    %swap3A_8 = arith.constant 0 : index
    %swap3A_9 = arith.constant 0 : index
    %swap3A_10 = vector.load %arg2[%swap3A, %swap3A_8, %swap3A_9] : memref<3x200x64xf32, #tpu.memory_space<vmem>>, vector<3x200x64xf32>
    tpu.vector_store %arg2[%swap3A, %swap3A_8, %swap3A_9], %add3A_7 {strides = array<i32>} : memref<3x200x64xf32, #tpu.memory_space<vmem>>, vector<3x200x64xf32>,
    return
  }
}

</mosaic_0001>

<sc_bundles>
// kernel: kernel.4.cloned.1.call-start
scs
__scs_entry_jumppad:
0x0: {  	(pc) =	sbr.rel $0x88, $3  }
0x1: {  	(tag) =	ssettag $0x0;
	lr =	simm.s32 $0x1  }
0x2: {  	[smem:$0x3F9A] =	sst lr;
	_ =	strace $0xD0000000  }
0x3: {  	_ = 	snop  }
0x4: {  	_ = 	snop  }
0x5: {  	_ = 	snop  }
0x6: {  	_ = 	snop  }
0x7: {  	_ = 	snop  }
__scs_overlays_trampoline_lowered:
0x8: {  	[smem:$0x3FA9] =	sst s0  }
0x9: {  	[smem:$0x3FAA] =	sst s1  }
0xa: {  	[smem:$0x3FAB] =	sst s2  }
0xb: {  	[smem:$0x3FAC] =	sst s3  }
0xc: {  	[smem:$0x3FAD] =	sst s4  }
0xd: {  	[smem:$0x3FAE] =	sst s5  }
0xe: {  	[smem:$0x3FAF] =	sst s6  }
0xf: {  	[smem:$0x3FB0] =	sst s7  }
0x10: {  	[smem:$0x3FB1] =	sst s8  }
0x11: {  	[smem:$0x3FB2] =	sst s9;
	s0 =	simm.s32 @!p0 $0x0  }
0x12: {  	s1 =	sld [smem:$0x3F98];
	s0 =	simm.s32 @p0 $0x1  }
0x13: {  	[smem:$0x3FB3] =	sst s0;
	s0 =	simm.s32 @!p1 $0x0  }
0x14: {  	s2 =	sld [smem:$0x3F97];
	s0 =	simm.s32 @p1 $0x1  }
0x15: {  	[smem:$0x3FB4] =	sst s0;
	s0 =	simm.s32 @!p2 $0x0  }
0x16: {  	s3 =	sld [smem:$0x3FDB];
	s0 =	simm.s32 @p2 $0x1  }
0x17: {  	s4 =	simm.s32 $0x1BF5;
	[smem:$0x3FB6] =	sst s0  }
0x18: {  	s0 =	sld [smem:$0x3F99];
	_ =	swait.ge [sflag:s4], $0x0  }
0x19: {  	s7 =	sld [smem:$0x3F9A]  }
0x1a: {  	s8 =	sadd.s32 $0xFFFFE003, lr  }
0x1b: {  	s9 =	sadd.s32 $0xFFFFFEF7, lr;
	s5 =	simm.s32 $0xFFFFFFFF;
	p2 =	slt.u32 s8, $0xFFFFF086  }
0x1c: {  	p1 =	slt.u32 s9, $0xF7A;
	s5 =	simm.s32 @!p2 $0x0  }
0x1d: {  	s5 =	simm.s32 @p1 $0x1;
	p0 =	seq.s32 s7, s2  }
0x1e: {  	s7 =	smul.u32 @!p0 $0xF7A, s2;
	p2 =	seq.s32 @!p0 s5, $0x0  }
0x1f: {  	s9 =	smul.u32 $0xF7A, s1;
	s8 =	simm.s32 @!p0 $0x1BF5;
	p2 =	por !p2, p0  }
0x20: {  	[sflag:s8] =	ssyncset.s32 @!p0 $0xFFFFF086;
	s6 =	sadd.s32 @!p0 s3, s7;
	s7 =	simm.s32 @!p0 $0x108  }
0x21: {  	s3 =	sadd.s32 s3, s9;
	s6 =	sadd.s32 @!p0 $0x88, s6;
	s7 =	simm.s32 @p2 $0x1082  }
0x22: {  	[simem:s7], [sflag:s8] =	dma.local @!p0 [hbm:s6], $0xF7A  }
0x23: {  	s9 =	sor.u32 $0xD0000000, s2;
	s6 =	simm.s32 $0x108;
	_ =	swait.ge @!p0 [sflag:s8], $0x0  }
0x24: {  	s3 =	sadd.s32 $0x88, s3;
	s6 =	simm.s32 @!p1 $0x1082;
	[sflag:s4] =	ssyncset.s32 $0xFFFFF086  }
0x25: {  	[simem:s6], [sflag:s4] =	dma.local [hbm:s3], $0xF7A  }
0x26: {  	[smem:$0x3F9A] =	sst s1;
	(tag) =	ssettag s2;
	_ =	strace s9  }
0x27: {  	s1 =	sld [smem:$0x3FAA]  }
0x28: {  	s2 =	sld [smem:$0x3FAB]  }
0x29: {  	s4 =	sld [smem:$0x3FAD]  }
0x2a: {  	p0 =	seq.s32 s5, $0x0;
	s5 =	sld [smem:$0x3FAE]  }
0x2b: {  	s6 =	sld [smem:$0x3FAF]  }
0x2c: {  	s7 =	sld [smem:$0x3FB0]  }
0x2d: {  	s3 =	simm.s32 $0x108;
	s8 =	sld [smem:$0x3FB1]  }
0x2e: {  	s3 =	simm.s32 @!p0 $0x1082;
	s9 =	sld [smem:$0x3FB2]  }
0x2f: {  	lr =	sadd.s32 s0, s3;
	s0 =	sld [smem:$0x3FA9]  }
0x30: {  	s3 =	sld [smem:$0x3FAC]  }
0x31: {  	[smem:$0x3FB5] =	sst s10  }
0x32: {  	s10 =	sld [smem:$0x3FB3];
	_ =	sdelay $0x3  }
0x33: {  	p0 =	seq.s32 s10, $0x1;
	s10 =	sld [smem:$0x3FB5];
	_ =	sdelay $0x3  }
0x34: {  	[smem:$0x3FB5] =	sst s10  }
0x35: {  	s10 =	sld [smem:$0x3FB4];
	_ =	sdelay $0x3  }
0x36: {  	p1 =	seq.s32 s10, $0x1;
	s10 =	sld [smem:$0x3FB5];
	_ =	sdelay $0x3  }
0x37: {  	[smem:$0x3FB5] =	sst s10  }
0x38: {  	s10 =	sld [smem:$0x3FB6]  }
0x39: {  	_ = 	snop;
	(pc) =	sbr.ind lr, $3  }
0x3a: {  	_ = 	snop  }
0x3b: {  	_ = 	snop  }
0x3c: {  	p2 =	seq.s32 s10, $0x1;
	s10 =	sld [smem:$0x3FB5]  }
0x3d: {  	_ =	shalt  }
0x3e: {  	_ =	shalt  }
0x3f: {  	_ =	shalt  }
0x40: {  	_ =	shalt  }
0x41: {  	_ =	shalt  }
0x42: {  	_ =	shalt  }
0x43: {  	_ =	shalt  }
0x44: {  	_ =	shalt  }
0x45: {  	_ =	shalt  }
0x46: {  	_ =	shalt  }
0x47: {  	_ =	shalt  }
0x48: {  	_ =	shalt  }
0x49: {  	_ =	shalt  }
0x4a: {  	_ =	shalt  }
0x4b: {  	_ =	shalt  }
0x4c: {  	_ =	shalt  }
0x4d: {  	_ =	shalt  }
0x4e: {  	_ =	shalt  }
0x4f: {  	_ =	shalt  }
0x50: {  	_ =	shalt  }
0x51: {  	_ =	shalt  }
0x52: {  	_ =	shalt  }
0x53: {  	_ =	shalt  }
0x54: {  	_ =	shalt  }
0x55: {  	_ =	shalt  }
0x56: {  	_ =	shalt  }
0x57: {  	_ =	shalt  }
0x58: {  	_ =	shalt  }
0x59: {  	_ =	shalt  }
0x5a: {  	_ =	shalt  }
0x5b: {  	_ =	shalt  }
0x5c: {  	_ =	shalt  }
0x5d: {  	_ =	shalt  }
0x5e: {  	_ =	shalt  }
0x5f: {  	_ =	shalt  }
0x60: {  	_ =	shalt  }
0x61: {  	_ =	shalt  }
0x62: {  	_ =	shalt  }
0x63: {  	_ =	shalt  }
0x64: {  	_ =	shalt  }
0x65: {  	_ =	shalt  }
0x66: {  	_ =	shalt  }
0x67: {  	_ =	shalt  }
0x68: {  	_ =	shalt  }
0x69: {  	_ =	shalt  }
0x6a: {  	_ =	shalt  }
0x6b: {  	_ =	shalt  }
0x6c: {  	_ =	shalt  }
0x6d: {  	_ =	shalt  }
0x6e: {  	_ =	shalt  }
0x6f: {  	_ =	shalt  }
0x70: {  	_ =	shalt  }
0x71: {  	_ =	shalt  }
0x72: {  	_ =	shalt  }
0x73: {  	_ =	shalt  }
0x74: {  	_ =	shalt  }
0x75: {  	_ =	shalt  }
0x76: {  	_ =	shalt  }
0x77: {  	_ =	shalt  }
0x78: {  	_ =	shalt  }
0x79: {  	_ =	shalt  }
0x7a: {  	_ =	shalt  }
0x7b: {  	_ =	shalt  }
0x7c: {  	_ =	shalt  }
0x7d: {  	_ =	shalt  }
0x7e: {  	_ =	shalt  }
0x7f: {  	_ =	shalt  }
0x80: {  	_ =	shalt  }
0x81: {  	_ =	shalt  }
0x82: {  	_ =	shalt  }
0x83: {  	_ =	shalt  }
0x84: {  	_ =	shalt  }
0x85: {  	_ =	shalt  }
0x86: {  	_ =	shalt  }
0x87: {  	_ =	shalt  }
.Lfunc_end0:
.L_simem_size_0:
called_computation.1_lowered:
.L_overlay_start_0:
0x88: {  	s2 =	sld [smem:$0x3FD9]  }
0x89: {  	s3 =	sld [smem:$0x3FFE];
	_ =	sdelay $0x1  }
0x8a: {  	s1 =	srdreg.scid  }
0x8b: {  	s0 =	sand.u32 $0x1, s1  }
0x8c: {  	s17 =	sshll.u32 s0, $0xA;
	s2 =	sadd.s32 s3, s2  }
0x8d: {  	s2 =	sadd.s32 s2, s17  }
0x8e: {  	[smem:$0x3FC1] =	sst s2  }
0x8f: {  	_ = 	snop  }
0x90: {  	s2 =	sld [smem:$0x3FC4]  }
0x91: {  	s18 =	sld [smem:$0x3FC3]  }
0x92: {  	s4 =	sld [smem:$0x3FD0];
	(tm) =	ssettm $0x1  }
0x93: {  	s5 =	sld [smem:$0x3FFB];
	_ =	sdelay $0x3  }
0x94: {  	_ =	strace s5  }
0x95: {  	s5 =	sld [smem:$0x3FFC];
	_ =	sdelay $0x3  }
0x96: {  	_ =	strace s5  }
0x97: {  	s5 =	sld [smem:$0x3FFD];
	_ =	sdelay $0x3  }
0x98: {  	_ =	strace s5  }
0x99: {  	_ =	strace $0x8FFFFFFF  }
0x9a: {  	s19 =	sld [smem:$0x3FDB];
	_ =	sdelay $0x1  }
0x9b: {  	s6 =	simm.s32 $_scs_section_size  }
0x9c: {  	s7 =	simm.s32 $_size__tile_overlayer_lowered;
	s8 =	simm.s32 $_tile_overlayer_lowered  }
0x9d: {  	s22 =	simm.s32 $0x1BFF;
	s21 =	sshll.u32 s8, $0x1;
	s5 =	sadd.s32 s6, s19  }
0x9e: {  	s9 =	simm.s32 $0x0;
	s20 =	sshll.u32 s7, $0x1;
	s7 =	sadd.s32 s21, s5  }
0x9f: {  	[timem:s9], [sflag:s22] =	dma.local [hbm:s7], s20  }
0xa0: {  	_ =	swait.ge [sflag:s22], s20  }
0xa1: {  	s6 =	ssub.s32 $0x0, s20;
	[sflag:s22] =	ssyncset.done $0x0  }
0xa2: {  	[sflag:s22] =	ssyncadd.s32 s6;
	_ =	sdelay $0x1  }
0xa3: {  	s23 =	simm.s32 $0x1B8B  }
0xa4: {  	_ =	swait.ge [sflag:s23], $0x1  }
0xa5: {  	[sflag:s23] =	ssyncset.done $0x0  }
0xa6: {  	s25 =	simm.s32 $0x1B8E;
	s24 =	sld [smem:$0x3FFE];
	[sflag:s23] =	ssyncadd.s32 $0xFFFFFFFF  }
0xa7: {  	s26 =	simm.s32 $execute0_lowered;
	[smem:$0x3FD2] =	sst s25  }
0xa8: {  	s7 =	sshll.u32 s26, $0x1;
	_ =	strace $0x80000046;
	[dreg:$0x1] =	wrdreg $0xFFFFFFFF  }
0xa9: {  	s28 =	simm.s32 $_size_execute0_lowered;
	s5 =	sadd.s32 s5, s7;
	[dreg:$0x0] =	wrdreg $0x0  }
0xaa: {  	s7 =	sshll.u32 s28, $0x1;
	[dreg:$0x2] =	wrdreg s5  }
0xab: {  	[dreg:$0x3] =	wrdreg s7  }
0xac: {  	[dreg:$0x4] =	wrdreg $0xC0  }
0xad: {  	_ =	task [dreg:s9], $0x5FFFF  }
0xae: {  	[dreg:$0x1] =	wrdreg $0xFFFFFFFF  }
0xaf: {  	[dreg:$0x0] =	wrdreg $0x60  }
0xb0: {  	[dreg:$0x2] =	wrdreg s24  }
0xb1: {  	[dreg:$0x3] =	wrdreg s2  }
0xb2: {  	[dreg:$0x4] =	wrdreg s18  }
0xb3: {  	[dreg:$0x5] =	wrdreg s4  }
0xb4: {  	[dreg:$0x6] =	wrdreg $0x9  }
0xb5: {  	_ =	task.clear_ibuf [dreg:s9], $0x7FFFF;
	_ =	strace $0x90000046  }
0xb6: {  	s29 =	simm.s32 $0x9;
	_ =	strace $0x80000048  }
0xb7: {  	_ =	swait.ge [sflag:s29], $0x1  }
0xb8: {  	[sflag:s29] =	ssyncadd.s32 $0xFFFFFFFF  }
0xb9: {  	_ =	strace $0x90000048  }
0xba: {  	_ =	sfence  }
0xbb: {  	s30 =	sld [smem:$0x0];
	_ =	sdelay $0x2  }
0xbc: {  	s31 =	sshll.u32 s1, $0xD;
	s1 =	sshrl.u32 s1, $0x2  }
0xbd: {  	s3 =	sand.u32 $0x4000, s31;
	s1 =	sadd.s32 s1, s30  }
0xbe: {  	s0 =	sor.u32 s3, s0;
	s1 =	sshll.u32 s1, $0x11  }
0xbf: {  	s0 =	sor.u32 s1, s0  }
0xc0: {  	s0 =	sadd.s32 $0x8F2B, s0  }
0xc1: {  	[sflag:s0] =	ssyncadd.remote.s32 $0x1  }
0xc2: {  	_ =	sfence.sel $0xFFFF  }
0xc3: {  	[dreg:$0x0] =	wrdreg $0xFFFFFFFF;
	(pc) =	sbr.abs _section_cstart, $3  }
0xc4: {  	[dreg:$0x1] =	wrdreg $0xFFFFFFFF  }
0xc5: {  	_ =	task.clear_ibuf [dreg:s9], $0x2FFFF;
	_ =	strace $0x9FFFFFFF  }
0xc6: {  	(tm) =	ssettm $0x7FFFFFFF  }
0xc7: {  	_ =	shalt  }
tec
execute0_lowered:
.L_overlay_start_1:
0x0: {  	(tag) =	ssettag $0x1  }
0x1: {  	s0 =	rddreg [dreg:$0x0];
	s1 =	srdreg.scid  }
0x2: {  	s7 =	stileid.u32;
	s4 =	rddreg [dreg:$0x3];
	s5 =	simm.s32 $0x0;
	v0 =	vimm.s32 $0xFEDCBA98;
	v1 =	vimm.s32 $0x76543210;
	v2 =	vimm.s32 $0xBA98FEDC  }
0x3: {  	v3 =	vimm.s32 $0x32107654;
	v4 =	vimm.s32 $0xDCFE98BA;
	s14 =	simm.s32 $0x5;
	s16 =	simm.s32 $0x6400;
	s17 =	simm.s32 $0x80  }
0x4: {  	v5 =	vimm.s32 $0x54761032;
	s19 =	simm.s32 $0xC800;
	s21 =	simm.s32 $0x16800;
	s22 =	simm.s32 $0xE800  }
0x5: {  	v6 =	vimm.s32 $0xEFCDAB89;
	v7 =	vimm.s32 $0x67452301;
	s23 =	simm.s32 $0x18800;
	s24 =	simm.s32 $0x10800;
	s28 =	simm.s32 $0x1  }
0x6: {  	s29 =	simm.s32 $0x2;
	s30 =	simm.s32 $0x3;
	s31 =	simm.s32 $0x4;
	v0 =	vunpack.c.l.s4.s8 v0;
	v1 =	vunpack.c.l.s4.s8 v1;
	v2 =	vunpack.c.l.s4.s8 v2  }
0x7: {  	s1 =	sand.u32 $0x1, s1;
	s2 =	sshll.u32 s7, $0x1;
	[smem:$0x7FF] =	sst s5;
	v3 =	vunpack.c.l.s4.s8 v3;
	v4 =	vunpack.c.l.s4.s8 v4;
	v5 =	vunpack.c.l.s4.s8 v5  }
0x8: {  	s6 =	sadd.s32 $0xF43600, s0;
	s11 =	smul.u32 $0xC800, s7;
	s7 =	sadd.s32 $0x33200, s0;
	v6 =	vunpack.c.l.s4.s8 v6;
	v7 =	vunpack.c.l.s4.s8 v7;
	v0 =	vunpack.c.0.s8.s32 v0  }
0x9: {  	s2 =	sor.u32 s1, s2;
	s12 =	ssub.s32 $0x2, s1;
	s1 =	smul.u32 $0x6400, s1;
	v2 =	vunpack.c.0.s8.s32 v2;
	v3 =	vunpack.c.0.s8.s32 v3;
	v4 =	vunpack.c.0.s8.s32 v4  }
0xa: {  	_ =	strace $0x80000047;
	s3 =	smul.u32 $0x6400, s2;
	s25 =	sshrl.u32 s12, $0x1;
	v5 =	vunpack.c.0.s8.s32 v5;
	v6 =	vunpack.c.0.s8.s32 v6;
	v7 =	vunpack.c.0.s8.s32 v7  }
0xb: {  	s10 =	smul.u32 $0x190000, s2;
	v1 =	vunpack.c.0.s8.s32 v1;
	s2 =	simm.s32 $0x0;
	s26 =	ssub.s32 s12, s25;
	v2 =	vcombine.low v3, v2  }
0xc: {  	s1 =	sadd.s32 s1, s11;
	s25 =	simm.s32 $0x1A800;
	s3 =	sshrl.u32 s3, $0x3;
	v3 =	vcombine.low v5, v4;
	v4 =	vand.u32 $0xF, v0;
	v5 =	vcombine.low v7, v6  }
0xd: {  	s11 =	smax.u32 s26, $0x1;
	s12 =	sor.u32 $0x10, s1;
	v0 =	vlaneseq.u32;
	s0 =	sadd.s32 s3, s0;
	v1 =	vcombine.low v4, v1  }
0xe: {  	s26 =	simm.s32 $0x12800;
	s8 =	sadd.s32 $0x1A200, s0;
	s9 =	sadd.s32 $0x1200, s0;
	v2 =	vand.u32 $0xF, v2;
	v3 =	vand.u32 $0xF, v3;
	v4 =	vand.u32 $0xF, v5  }
.LBB2_1:
0xf: {  	s0 =	rddreg [dreg:$0x1];
	s1 =	simm.s32 $0x1C800  }
0x10: {  	[tilespmem:s1], [sflag:$0x5] =	stream.linear.gather [hbm4b:s0+s5], $0x40, $0x38;
	[tilespmem:$0x1C880] =	vst v63  }
0x11: {  	_ =	swait.ge [sflag:s14], $0x40  }
0x12: {  	[sflag:s14] =	ssyncset.done $0x0  }
0x13: {  	[sflag:s14] =	ssyncadd.s32 $0xFFFFFFC0  }
0x14: {  	s18 =	simm.s32 $0x1C840;
	s15 =	rddreg [dreg:$0x2]  }
0x15: {  	[tilespmem:s18], [sflag:$0x5] =	stream.linear.gather [hbm4b:s15+s5], $0x40, $0x38;
	[tilespmem:$0x1C880] =	vst v63  }
0x16: {  	_ =	swait.ge [sflag:s14], $0x40  }
0x17: {  	[sflag:s14] =	ssyncset.done $0x0  }
0x18: {  	[sflag:s14] =	ssyncadd.s32 $0xFFFFFFC0  }
0x19: {  	v5 =	vld [tilespmem:$0x1C800]  }
0x1a: {  	v6 =	vld [tilespmem:$0x1C810]  }
0x1b: {  	v7 =	vld [tilespmem:$0x1C820]  }
0x1c: {  	v8 =	vld [tilespmem:$0x1C830]  }
0x1d: {  	v9 =	vld [tilespmem:$0x1C840]  }
0x1e: {  	v10 =	vld [tilespmem:$0x1C850]  }
0x1f: {  	v11 =	vld [tilespmem:$0x1C860]  }
0x20: {  	v12 =	vld [tilespmem:$0x1C870];
	[tilespmem:s5], [sflag:$0x5] =	stream.linear.gather [hbm4b:s8+s5], $0x6400, $0x38  }
0x21: {  	_ =	swait.ge [sflag:s14], $0x6400  }
0x22: {  	[sflag:s14] =	ssyncset.done $0x0  }
0x23: {  	[sflag:s14] =	ssyncadd.s32 $0xFFFF9C00  }
0x24: {  	[tilespmem:s16], [sflag:$0x5] =	stream.linear.gather [hbm4b:s9+s5], $0x6400, $0x38;
	[tilespmem:$0x1C880] =	vst v63  }
0x25: {  	_ =	swait.ge [sflag:s14], $0x6400  }
0x26: {  	s20 =	sadd.s32 $0xFFFFFFF0, s12;
	[sflag:s14] =	ssyncset.done $0x0  }
0x27: {  	s0 =	simm.s32 $0x6410;
	v16 =	vor.u32 s20, v0;
	[sflag:s14] =	ssyncadd.s32 $0xFFFF9C00  }
0x28: {  	v20 =	vor.u32 s12, v0;
	v15 =	vmulhi.u32 $0x51EB851F, v16;
	v13 =	vld [tilespmem:s0+$0xFFFFFFF0]  }
0x29: {  	v17 =	vmulhi.u32 $0x51EB851F, v20;
	v14 =	vld [tilespmem:s0+$0x0]  }
0x2a: {  	v15 =	vshrl.u32 v15, $0x6  }
0x2b: {  	v18 =	vmul.u32 $0xC8, v15;
	v15 =	vshrl.u32 v17, $0x6  }
0x2c: {  	s3 =	sadd.s32 $0x20, s12;
	v21 =	vmul.u32 $0xC8, v15  }
0x2d: {  	s1 =	simm.s32 $0x6430;
	s13 =	sadd.s32 $0xFFFFFFF0, s3;
	v22 =	vsub.s32 v16, v18;
	v19 =	vmul.u32 $0xC8, v13  }
0x2e: {  	v20 =	vsub.s32 v20, v21;
	v15 =	vld [tilespmem:s1+$0xFFFFFFF0];
	v17 =	vmul.u32 $0xC8, v14;
	v14 =	vor.u32 s13, v0  }
0x2f: {  	v16 =	vld [tilespmem:s1+$0x0];
	v13 =	vor.u32 s3, v0;
	s13 =	simm.s32 $0x2;
	v18 =	vmulhi.u32 $0x51EB851F, v14;
	v19 =	vadd.s32 v22, v19  }
.LBB2_2:
0x30: {  	s13 =	sadd.s32 $0x2, s13  }
0x31: {  	v21 =	vmulhi.u32 $0x51EB851F, v13;
	[tilespmem:s0+$0xFFFFFFF0] =	vst v19;
	v17 =	vadd.s32 v20, v17;
	p0 =	slt.u32 s13, $0x63E  }
.Ltmp0:
0x32: {  	v18 =	vshrl.u32 v18, $0x6;
	[tilespmem:s0+$0x0] =	vst v17;
	s0 =	smov.u32 s1;
	(pc) =	sbr.rel @p0 .LBB2_2-.Ltmp0, $4  }
0x33: {  	s3 =	sadd.s32 $0x20, s3;
	s1 =	sadd.s32 $0x20, s1;
	v18 =	vmul.u32 $0xC8, v18;
	v17 =	vshrl.u32 v21, $0x6  }
0x34: {  	s15 =	sadd.s32 $0xFFFFFFF0, s3;
	v19 =	vmul.u32 $0xC8, v15;
	v15 =	vld [tilespmem:s1+$0xFFFFFFF0];
	v20 =	vmul.u32 $0xC8, v17;
	v17 =	vmul.u32 $0xC8, v16  }
0x35: {  	v21 =	vor.u32 s3, v0;
	v16 =	vld [tilespmem:s1+$0x0];
	v22 =	vsub.s32 v14, v18;
	v14 =	vor.u32 s15, v0  }
0x36: {  	v18 =	vmulhi.u32 $0x51EB851F, v14;
	v19 =	vadd.s32 v22, v19;
	v20 =	vsub.s32 v13, v20;
	v13 =	vmovc v21  }
0x37: {  	v21 =	vmulhi.u32 $0x51EB851F, v13  }
0x38: {  	v18 =	vshrl.u32 v18, $0x6  }
0x39: {  	v18 =	vmul.u32 $0xC8, v18;
	v21 =	vshrl.u32 v21, $0x6  }
0x3a: {  	v15 =	vmul.u32 $0xC8, v15;
	v21 =	vmul.u32 $0xC8, v21  }
0x3b: {  	[tilespmem:s0+$0xFFFFFFF0] =	vst v19;
	v17 =	vadd.s32 v20, v17;
	v16 =	vmul.u32 $0xC8, v16;
	v14 =	vsub.s32 v14, v18  }
0x3c: {  	[tilespmem:s0+$0x0] =	vst v17;
	v14 =	vadd.s32 v14, v15;
	v13 =	vsub.s32 v13, v21  }
0x3d: {  	[tilespmem:s1+$0xFFFFFFF0] =	vst v14;
	v13 =	vadd.s32 v13, v16  }
0x3e: {  	s18 =	simm.s32 $0x14800;
	[tilespmem:s1+$0x0] =	vst v13  }
0x3f: {  	[tilespmem:s18], [sflag:$0x1] =	stream.indirect.gather [hbm4b:s7+s17], $0x40, s16, s17, $0xb8;
	[tilespmem:$0x1C880] =	vst v63  }
0x40: {  	s0 =	simm.s32 $0x0  }
0x41: {  	[tilespmem:s19], [sflag:$0x1] =	stream.indirect.gather [hbm4b:s6+s17], $0x40, s0, s17, $0xb8;
	[tilespmem:$0x1C880] =	vst v63  }
0x42: {  	s20 =	simm.s32 $0x6480  }
0x43: {  	[tilespmem:s21], [sflag:$0x1] =	stream.indirect.gather [hbm4b:s7+s17], $0x40, s20, s17, $0xb8;
	[tilespmem:$0x1C880] =	vst v63  }
0x44: {  	_ = 	snop  }
0x45: {  	[tilespmem:s22], [sflag:$0x1] =	stream.indirect.gather [hbm4b:s6+s17], $0x40, s17, s17, $0xb8;
	[tilespmem:$0x1C880] =	vst v63  }
.LBB2_4:
0x46: {  	p0 =	seq.s32 s0, $0x0  }
0x47: {  	s3 =	simm.s32 @!p0 $0x4  }
0x48: {  	s1 =	sshllo.u32 s0, $0x1;
	_ =	swait.ge @!p0 [sflag:s3], $0x4000  }
0x49: {  	s13 =	sshll.u32 s1, $0x8;
	[sflag:s3] =	ssyncset.done @!p0 $0x0  }
0x4a: {  	s20 =	sadd.s32 $0x6400, s13;
	[sflag:s3] =	ssyncadd.s32 @!p0 $0xFFFFC000  }
0x4b: {  	[tilespmem:s23], [sflag:$0x2] =	stream.indirect.gather [hbm4b:s7+s17], $0x40, s20, s17, $0xb8;
	[tilespmem:$0x1C880] =	vst v63  }
0x4c: {  	_ = 	snop  }
0x4d: {  	[tilespmem:s24], [sflag:$0x2] =	stream.indirect.gather [hbm4b:s6+s17], $0x40, s13, s17, $0xb8;
	[tilespmem:$0x1C880] =	vst v63  }
0x4e: {  	s15 =	sadd.s32 $0x6480, s13  }
0x4f: {  	[tilespmem:s25], [sflag:$0x2] =	stream.indirect.gather [hbm4b:s7+s17], $0x40, s15, s17, $0xb8;
	[tilespmem:$0x1C880] =	vst v63  }
0x50: {  	s18 =	sor.u32 $0x80, s13  }
0x51: {  	[tilespmem:s26], [sflag:$0x2] =	stream.indirect.gather [hbm4b:s6+s17], $0x40, s18, s17, $0xb8;
	[tilespmem:$0x1C880] =	vst v63  }
0x52: {  	_ =	swait.ge [sflag:s28], $0x4000  }
0x53: {  	[sflag:s28] =	ssyncset.done $0x0  }
0x54: {  	[sflag:s28] =	ssyncadd.s32 $0xFFFFC000  }
0x55: {  	_ =	swait.ge [sflag:s28], $0x4000  }
0x56: {  	[sflag:s28] =	ssyncset.done $0x0  }
0x57: {  	s3 =	simm.s32 $0xC880;
	[sflag:s28] =	ssyncadd.s32 $0xFFFFC000  }
0x58: {  	s20 =	simm.s32 $0x14880;
	v13 =	vld [tilespmem:s3+$0x40]  }
0x59: {  	v14 =	vld [tilespmem:s20+$0x40]  }
0x5a: {  	v15 =	vld [tilespmem:s3+$0x50]  }
0x5b: {  	v17 =	vld [tilespmem:s20+$0x50]  }
0x5c: {  	v18 =	vld [tilespmem:s3+$0x60]  }
0x5d: {  	v19 =	vld [tilespmem:s20+$0x60]  }
0x5e: {  	v20 =	vld [tilespmem:s3+$0x70]  }
0x5f: {  	v21 =	vld [tilespmem:s20+$0x70]  }
0x60: {  	v29 =	vld [tilespmem:s20+$0xFFFFFF80]  }
0x61: {  	v22 =	vld [tilespmem:s3+$0xFFFFFF90]  }
0x62: {  	v23 =	vld [tilespmem:s20+$0xFFFFFF90]  }
0x63: {  	v24 =	vld [tilespmem:s3+$0xFFFFFFA0]  }
0x64: {  	v27 =	vld [tilespmem:s3+$0xFFFFFFC0]  }
0x65: {  	v31 =	vld [tilespmem:s20+$0xFFFFFFC0]  }
0x66: {  	v32 =	vld [tilespmem:s3+$0xFFFFFFF0];
	v16 =	vadd.f32 v14, v13;
	v14 =	vadd.f32 v17, v15  }
0x67: {  	v17 =	vld [tilespmem:s20+$0xFFFFFFA0];
	v13 =	vadd.f32 v19, v18;
	v15 =	vadd.f32 v21, v20  }
0x68: {  	v18 =	vld [tilespmem:s3+$0xFFFFFFB0];
	v19 =	vadd.f32 v14, v16  }
0x69: {  	v20 =	vld [tilespmem:s20+$0xFFFFFFB0];
	v21 =	vadd.f32 v15, v13;
	v25 =	vmul.f32 v16, v16;
	v26 =	vmul.f32 v14, v14  }
0x6a: {  	v43 =	vld [tilespmem:s3+$0xFFFFFF80];
	v28 =	vmul.f32 v13, v13;
	v30 =	vmul.f32 v15, v15  }
0x6b: {  	v19 =	vadd.f32 v21, v19;
	v21 =	vld [tilespmem:s3+$0xFFFFFFD0]  }
0x6c: {  	v25 =	vadd.f32 v26, v25;
	v26 =	vadd.f32 v30, v28;
	v28 =	vld [tilespmem:s20+$0xFFFFFFD0]  }
0x6d: {  	v30 =	vld [tilespmem:s3+$0xFFFFFFE0];
	v17 =	vadd.f32 v17, v24  }
0x6e: {  	v24 =	vld [tilespmem:s20+$0xFFFFFFE0];
	v18 =	vadd.f32 v20, v18;
	v26 =	vadd.f32 v26, v25;
	v25 =	vperm.xlane v19, v1  }
0x6f: {  	v20 =	vadd.f32 v31, v27;
	v27 =	vld [tilespmem:s20+$0xFFFFFFF0]  }
0x70: {  	v29 =	vadd.f32 v29, v43;
	v31 =	vmul.f32 v18, v18;
	v19 =	vadd.f32 v19, v25  }
0x71: {  	v33 =	vperm.xlane v26, v1;
	v25 =	vadd.f32 v23, v22;
	v22 =	vmul.f32 v17, v17  }
0x72: {  	v34 =	vld [tilespmem:s3+$0x0];
	v55 =	vmul.f32 v29, v29;
	v36 =	vadd.f32 v18, v17;
	v23 =	vadd.f32 v28, v21  }
0x73: {  	v38 =	vld [tilespmem:s3+$0x20];
	v60 =	vmul.f32 v20, v20;
	v33 =	vadd.f32 v33, v26;
	v31 =	vadd.f32 v31, v22  }
0x74: {  	v21 =	vld [tilespmem:s20+$0x0];
	v35 =	vperm.xlane v19, v2;
	v26 =	vadd.f32 v24, v30;
	v27 =	vadd.f32 v27, v32  }
0x75: {  	v22 =	vld [tilespmem:s3+$0x10];
	v51 =	vmul.f32 v25, v25;
	v54 =	vadd.f32 v25, v29;
	v24 =	vmul.f32 v23, v23  }
0x76: {  	v30 =	vld [tilespmem:s20+$0x10];
	v37 =	vadd.f32 v23, v20;
	v19 =	vadd.f32 v19, v35;
	v28 =	vperm.xlane v33, v2  }
0x77: {  	v61 =	vld [tilespmem:s20+$0x20];
	v62 =	vmul.f32 v26, v26;
	v45 =	vadd.f32 v27, v26;
	v32 =	vadd.f32 v51, v55  }
0x78: {  	v36 =	vadd.f32 v36, v54;
	v24 =	vadd.f32 v24, v60;
	v39 =	vperm.xlane v19, v3  }
0x79: {  	v41 =	vmul.f32 v27, v27;
	v28 =	vadd.f32 v28, v33;
	v31 =	vadd.f32 v31, v32  }
0x7a: {  	v63 =	vld [tilespmem:s3+$0x30];
	v59 =	vperm.xlane v36, v1;
	v39 =	vadd.f32 v19, v39;
	v19 =	vadd.f32 v21, v34  }
0x7b: {  	v42 =	vld [tilespmem:s20+$0x30];
	v40 =	vperm.xlane v28, v3;
	v21 =	vadd.f32 v30, v22;
	v34 =	vadd.f32 v45, v37  }
0x7c: {  	v22 =	vadd.f32 v61, v38;
	v32 =	vadd.f32 v36, v59  }
0x7d: {  	v30 =	vperm.xlane v39, v4;
	v40 =	vadd.f32 v40, v28;
	v28 =	vadd.f32 v41, v62  }
0x7e: {  	v47 =	vmul.f32 v19, v19;
	v49 =	vadd.f32 v21, v19;
	v50 =	vmul.f32 v21, v21  }
0x7f: {  	v57 =	vperm.xlane v34, v1;
	v62 =	vperm.xlane v31, v1;
	v30 =	vadd.f32 v39, v30  }
0x80: {  	v45 =	vperm.xlane v32, v2;
	v48 =	vadd.f32 v28, v24;
	v24 =	vadd.f32 v42, v63  }
0x81: {  	v53 =	vmul.f32 v22, v22;
	v33 =	vadd.f32 v50, v47;
	v34 =	vadd.f32 v34, v57  }
0x82: {  	v46 =	vperm.xlane v40, v4;
	v31 =	vadd.f32 v62, v31;
	v32 =	vadd.f32 v32, v45  }
0x83: {  	v28 =	vmul.f32 $1.562500000e-02, v30;
	v42 =	vadd.f32 v24, v22;
	v56 =	vmul.f32 v24, v24  }
0x84: {  	v30 =	vadd.f32 v46, v40;
	v58 =	vperm.xlane v48, v1;
	v46 =	vperm.xlane v34, v2  }
0x85: {  	v51 =	vperm.xlane v32, v3;
	v38 =	vadd.f32 v42, v49;
	v39 =	vadd.f32 v56, v53  }
0x86: {  	v30 =	vmul.f32 $1.562500000e-02, v30;
	v37 =	vadd.f32 v58, v48;
	v34 =	vadd.f32 v34, v46  }
0x87: {  	v52 =	vmul.f32 v28, v28;
	v32 =	vadd.f32 v32, v51;
	v15 =	vsub.f32 v15, v28  }
0x88: {  	v48 =	vperm.xlane v31, v2;
	v16 =	vsub.f32 v16, v28;
	v14 =	vsub.f32 v14, v28  }
0x89: {  	v13 =	vsub.f32 v13, v28;
	v30 =	vsub.f32 v30, v52;
	v60 =	vperm.xlane v38, v1  }
0x8a: {  	v33 =	vadd.f32 v39, v33;
	v49 =	vperm.xlane v37, v2;
	v31 =	vadd.f32 v48, v31  }
0x8b: {  	v53 =	vperm.xlane v34, v3;
	v58 =	vperm.xlane v32, v4;
	v30 =	vadd.f32 $9.999999970e-07, v30  }
0x8c: {  	v39 =	vperm.xlane v33, v1;
	v38 =	vadd.f32 v38, v60;
	v36 =	vadd.f32 v49, v37  }
0x8d: {  	v55 =	vperm.xlane v31, v3;
	v34 =	vadd.f32 v34, v53;
	v32 =	vadd.f32 v32, v58  }
0x8e: {  	v61 =	vshrl.u32 v30, $0x1;
	v30 =	vmul.f32 $5.000000000e-01, v30;
	v47 =	vperm.xlane v38, v2  }
0x8f: {  	v33 =	vadd.f32 v39, v33;
	v56 =	vperm.xlane v36, v3;
	v31 =	vadd.f32 v55, v31  }
0x90: {  	v59 =	vperm.xlane v34, v4;
	v32 =	vmul.f32 $1.562500000e-02, v32;
	v35 =	vsub.s32 $0x5F3759DF, v61  }
0x91: {  	v63 =	vmul.f32 v35, v30;
	v38 =	vadd.f32 v38, v47;
	v52 =	vperm.xlane v33, v2  }
0x92: {  	v36 =	vadd.f32 v56, v36;
	v61 =	vperm.xlane v31, v4;
	v34 =	vadd.f32 v34, v59  }
0x93: {  	v42 =	vmul.f32 v32, v32;
	v29 =	vsub.f32 v29, v32;
	v41 =	vmul.f32 v35, v63  }
0x94: {  	v54 =	vperm.xlane v38, v3;
	v33 =	vadd.f32 v52, v33;
	v31 =	vadd.f32 v61, v31  }
0x95: {  	v25 =	vsub.f32 v25, v32;
	v62 =	vperm.xlane v36, v4;
	v50 =	vsub.f32 $1.500000000e+00, v41  }
0x96: {  	v37 =	vadd.f32 v38, v54;
	v57 =	vperm.xlane v33, v3;
	v31 =	vmul.f32 $1.562500000e-02, v31  }
0x97: {  	v17 =	vsub.f32 v17, v32;
	v34 =	vmul.f32 $1.562500000e-02, v34;
	v35 =	vmul.f32 v35, v50  }
0x98: {  	v60 =	vperm.xlane v37, v4;
	v33 =	vadd.f32 v57, v33;
	v31 =	vsub.f32 v31, v42  }
0x99: {  	v36 =	vadd.f32 v62, v36;
	v43 =	vmul.f32 v34, v34;
	v30 =	vmul.f32 v35, v30  }
0x9a: {  	v37 =	vadd.f32 v37, v60;
	v63 =	vperm.xlane v33, v4;
	v31 =	vadd.f32 $9.999999970e-07, v31  }
0x9b: {  	v18 =	vsub.f32 v18, v32;
	v36 =	vmul.f32 $1.562500000e-02, v36;
	v30 =	vmul.f32 v30, v35  }
0x9c: {  	v37 =	vmul.f32 $1.562500000e-02, v37;
	v33 =	vadd.f32 v63, v33;
	v46 =	vshrl.u32 v31, $0x1  }
0x9d: {  	v45 =	vsub.f32 v36, v43;
	v31 =	vmul.f32 $5.000000000e-01, v31;
	v36 =	vsub.s32 $0x5F3759DF, v46  }
0x9e: {  	v30 =	vsub.f32 $1.500000000e+00, v30;
	v33 =	vmul.f32 $1.562500000e-02, v33;
	v44 =	vmul.f32 v37, v37  }
0x9f: {  	v20 =	vsub.f32 v20, v34;
	v23 =	vsub.f32 v23, v34;
	v49 =	vmul.f32 v36, v31  }
0xa0: {  	v30 =	vmul.f32 v30, v35;
	v33 =	vsub.f32 v33, v44;
	v35 =	vadd.f32 $9.999999970e-07, v45  }
0xa1: {  	v26 =	vsub.f32 v26, v34;
	v27 =	vsub.f32 v27, v34;
	v40 =	vmul.f32 v36, v49  }
0xa2: {  	v33 =	vadd.f32 $9.999999970e-07, v33;
	v47 =	vshrl.u32 v35, $0x1;
	v35 =	vmul.f32 $5.000000000e-01, v35  }
0xa3: {  	v61 =	vsub.f32 v19, v37;
	v40 =	vsub.f32 $1.500000000e+00, v40;
	v38 =	vsub.s32 $0x5F3759DF, v47  }
0xa4: {  	v48 =	vshrl.u32 v33, $0x1;
	v33 =	vmul.f32 $5.000000000e-01, v33;
	v50 =	vmul.f32 v38, v35  }
0xa5: {  	s15 =	simm.s32 $0x14980;
	v15 =	vmul.f32 v30, v15;
	v52 =	vmul.f32 v36, v40;
	v39 =	vsub.s32 $0x5F3759DF, v48  }
0xa6: {  	s13 =	simm.s32 $0xC980;
	v58 =	vld [tilespmem:s15+$0x50];
	v21 =	vsub.f32 v21, v37;
	v51 =	vmul.f32 v39, v33;
	v41 =	vmul.f32 v38, v50  }
0xa7: {  	v57 =	vld [tilespmem:s13+$0x50];
	v63 =	vsub.f32 v22, v37;
	v16 =	vmul.f32 v30, v16;
	v31 =	vmul.f32 v52, v31  }
0xa8: {  	v55 =	vld [tilespmem:s13+$0x40];
	v14 =	vmul.f32 v30, v14;
	v42 =	vmul.f32 v39, v51;
	v41 =	vsub.f32 $1.500000000e+00, v41  }
0xa9: {  	v56 =	vld [tilespmem:s15+$0x40];
	v37 =	vsub.f32 v24, v37;
	v13 =	vmul.f32 v30, v13;
	v31 =	vmul.f32 v31, v52  }
0xaa: {  	v59 =	vld [tilespmem:s13+$0x60];
	v15 =	vmul.f32 v15, v8;
	v42 =	vsub.f32 $1.500000000e+00, v42;
	v53 =	vmul.f32 v38, v41  }
0xab: {  	v60 =	vld [tilespmem:s15+$0x60];
	v16 =	vmul.f32 v16, v5;
	v44 =	vmul.f32 v14, v6;
	v31 =	vsub.f32 $1.500000000e+00, v31  }
0xac: {  	v19 =	vadd.f32 v58, v57;
	v30 =	vld [tilespmem:s13+$0x70];
	v54 =	vmul.f32 v39, v42;
	v35 =	vmul.f32 v53, v35  }
0xad: {  	v13 =	vmul.f32 v13, v7;
	v15 =	vadd.f32 v15, v12;
	v14 =	vmul.f32 v31, v52;
	v31 =	vld [tilespmem:s15+$0x70]  }
0xae: {  	v16 =	vadd.f32 v16, v9;
	v33 =	vmul.f32 v54, v33;
	v35 =	vmul.f32 v35, v53  }
0xaf: {  	v46 =	vld [tilespmem:s15+$0xFFFFFF90];
	v29 =	vmul.f32 v14, v29;
	v47 =	vmul.f32 v14, v18;
	v18 =	vadd.f32 v56, v55  }
0xb0: {  	v57 =	vld [tilespmem:s15+$0xFFFFFFC0];
	v25 =	vmul.f32 v14, v25;
	v45 =	vmul.f32 v14, v17;
	v17 =	vadd.f32 v60, v59  }
0xb1: {  	v58 =	vld [tilespmem:s13+$0xFFFFFFD0];
	v28 =	vmul.f32 v33, v54;
	v35 =	vsub.f32 $1.500000000e+00, v35;
	v22 =	vadd.f32 v19, v18  }
0xb2: {  	v40 =	vld [tilespmem:s13+$0xFFFFFFC0];
	v24 =	vmul.f32 v18, v18;
	v45 =	vmul.f32 v45, v7;
	v14 =	vadd.f32 v31, v30  }
0xb3: {  	v48 =	vld [tilespmem:s13+$0xFFFFFFA0];
	v47 =	vmul.f32 v47, v8;
	v28 =	vsub.f32 $1.500000000e+00, v28;
	v62 =	vmul.f32 v35, v53  }
0xb4: {  	v38 =	vld [tilespmem:s15+$0xFFFFFFF0];
	v42 =	vmul.f32 v17, v17;
	v45 =	vadd.f32 v45, v11;
	v49 =	vmul.f32 v14, v14  }
0xb5: {  	v55 =	vld [tilespmem:s15+$0xFFFFFFA0];
	v47 =	vadd.f32 v47, v12;
	v28 =	vmul.f32 v28, v54;
	v33 =	vmul.f32 v62, v23  }
0xb6: {  	v30 =	vld [tilespmem:s13+$0xFFFFFFB0];
	v41 =	vmul.f32 v62, v26;
	v23 =	vadd.f32 v14, v17;
	v26 =	vmul.f32 v19, v19  }
0xb7: {  	v31 =	vld [tilespmem:s15+$0xFFFFFFB0];
	v34 =	vmul.f32 v62, v20;
	v32 =	vmul.f32 v62, v27;
	v27 =	vadd.f32 v49, v42  }
0xb8: {  	v56 =	vld [tilespmem:s13+$0xFFFFFFE0];
	v49 =	vmul.f32 v29, v5;
	v50 =	vadd.f32 v23, v22;
	v26 =	vadd.f32 v26, v24  }
0xb9: {  	v51 =	vmul.f32 v28, v61;
	v24 =	vmul.f32 v28, v21;
	v22 =	vadd.f32 v13, v11;
	v13 =	vld [tilespmem:s15+$0xFFFFFFD0]  }
0xba: {  	v54 =	vld [tilespmem:s13+$0xFFFFFF90];
	v23 =	vmul.f32 v28, v63;
	v21 =	vmul.f32 v28, v37;
	v28 =	vadd.f32 v27, v26  }
0xbb: {  	v20 =	vadd.f32 v44, v10;
	v42 =	vld [tilespmem:s13+$0xFFFFFFF0];
	v59 =	vperm.xlane v50, v1;
	v26 =	vadd.f32 v55, v48  }
0xbc: {  	v60 =	vld [tilespmem:s15+$0xFFFFFFE0];
	v49 =	vadd.f32 v49, v9;
	v27 =	vadd.f32 v31, v30;
	v29 =	vperm.xlane v28, v1  }
0xbd: {  	v63 =	vld [tilespmem:s13+$0x0];
	v55 =	vmul.f32 v34, v5;
	v31 =	vadd.f32 v50, v59;
	v61 =	vmul.f32 v26, v26  }
0xbe: {  	v62 =	vmul.f32 v27, v27;
	v52 =	vadd.f32 v29, v28;
	v29 =	vadd.f32 v13, v58;
	v13 =	vld [tilespmem:s15+$0x0]  }
0xbf: {  	v30 =	vadd.f32 v46, v54;
	v50 =	vperm.xlane v31, v2;
	v28 =	vadd.f32 v57, v40;
	v40 =	vld [tilespmem:s13+$0x10]  }
0xc0: {  	v25 =	vmul.f32 v25, v6;
	v37 =	vadd.f32 v38, v42;
	v44 =	vadd.f32 v62, v61;
	v61 =	vld [tilespmem:s15+$0x10]  }
0xc1: {  	v36 =	vld [tilespmem:s15+$0xFFFFFF80];
	v55 =	vadd.f32 v55, v9;
	v57 =	vadd.f32 v31, v50;
	v58 =	vperm.xlane v52, v2  }
0xc2: {  	v53 =	vld [tilespmem:s13+$0x20];
	v59 =	vmul.f32 v28, v28;
	v31 =	vadd.f32 v60, v56;
	v60 =	vmul.f32 v29, v29  }
0xc3: {  	v35 =	vld [tilespmem:s15+$0x20];
	v50 =	vadd.f32 v29, v28;
	v54 =	vperm.xlane v57, v3;
	v52 =	vadd.f32 v58, v52  }
0xc4: {  	v56 =	vld [tilespmem:s13+$0xFFFFFF80];
	v38 =	vadd.f32 v60, v59;
	v42 =	vmul.f32 v31, v31;
	v34 =	vadd.f32 v13, v63  }
0xc5: {  	v13 =	vadd.f32 v37, v31;
	v63 =	vmul.f32 v37, v37;
	v40 =	vadd.f32 v61, v40  }
0xc6: {  	v43 =	vadd.f32 v57, v54;
	v62 =	vperm.xlane v52, v3;
	v57 =	vadd.f32 v27, v26  }
0xc7: {  	v33 =	vmul.f32 v33, v6;
	v46 =	vld [tilespmem:s13+$0x30];
	v13 =	vadd.f32 v13, v50;
	v48 =	vadd.f32 v63, v42  }
0xc8: {  	v60 =	vld [tilespmem:s15+$0x30];
	v42 =	vadd.f32 v35, v53;
	v52 =	vadd.f32 v62, v52;
	v61 =	vperm.xlane v43, v4  }
0xc9: {  	v63 =	vmul.f32 v34, v34;
	v54 =	vadd.f32 v36, v56;
	v58 =	vmul.f32 v40, v40  }
0xca: {  	v38 =	vadd.f32 v48, v38;
	v43 =	vadd.f32 v43, v61;
	v62 =	vperm.xlane v52, v4  }
0xcb: {  	v50 =	vmul.f32 v30, v30;
	v53 =	vadd.f32 v58, v63;
	v61 =	vadd.f32 v30, v54  }
0xcc: {  	v63 =	vmul.f32 v42, v42;
	v35 =	vmul.f32 $1.562500000e-02, v43;
	v52 =	vadd.f32 v62, v52  }
0xcd: {  	v43 =	vadd.f32 v60, v46;
	v62 =	vmul.f32 v54, v54;
	v48 =	vadd.f32 v57, v61  }
0xce: {  	v57 =	vadd.f32 v25, v10;
	v59 =	vmul.f32 $1.562500000e-02, v52;
	v60 =	vmul.f32 v35, v35  }
0xcf: {  	v52 =	vadd.f32 v40, v34;
	v50 =	vadd.f32 v50, v62;
	v61 =	vmul.f32 v43, v43  }
0xd0: {  	v62 =	vperm.xlane v13, v1;
	v14 =	vsub.f32 v14, v35;
	v39 =	vsub.f32 v59, v60  }
0xd1: {  	v36 =	vmul.f32 v32, v8;
	v60 =	vadd.f32 v43, v42;
	v46 =	vadd.f32 v61, v63  }
0xd2: {  	v44 =	vadd.f32 v44, v50;
	v63 =	vperm.xlane v48, v1;
	v13 =	vadd.f32 v13, v62  }
0xd3: {  	v61 =	vperm.xlane v38, v1;
	v32 =	vadd.f32 v60, v52;
	v39 =	vadd.f32 $9.999999970e-07, v39  }
0xd4: {  	v41 =	vmul.f32 v41, v7;
	v46 =	vadd.f32 v46, v53;
	v48 =	vadd.f32 v48, v63  }
0xd5: {  	v60 =	vperm.xlane v44, v1;
	v38 =	vadd.f32 v61, v38;
	v56 =	vperm.xlane v32, v1  }
0xd6: {  	v59 =	vshrl.u32 v39, $0x1;
	v39 =	vmul.f32 $5.000000000e-01, v39;
	v62 =	vperm.xlane v48, v2  }
0xd7: {  	v44 =	vadd.f32 v60, v44;
	v63 =	vperm.xlane v46, v1;
	v52 =	vsub.s32 $0x5F3759DF, v59  }
0xd8: {  	v61 =	vperm.xlane v13, v2;
	v32 =	vadd.f32 v32, v56;
	v60 =	vmul.f32 v52, v39  }
0xd9: {  	v25 =	vadd.f32 v48, v62;
	v46 =	vadd.f32 v63, v46;
	v63 =	vperm.xlane v44, v2  }
0xda: {  	v48 =	vadd.f32 v13, v61;
	v13 =	vmul.f32 v51, v5;
	v61 =	vperm.xlane v38, v2  }
0xdb: {  	v19 =	vsub.f32 v19, v35;
	v62 =	vperm.xlane v32, v2;
	v53 =	vmul.f32 v52, v60  }
0xdc: {  	v44 =	vadd.f32 v63, v44;
	v63 =	vperm.xlane v46, v2;
	v38 =	vadd.f32 v61, v38  }
0xdd: {  	v58 =	vperm.xlane v48, v3;
	v60 =	vsub.f32 $1.500000000e+00, v53;
	v32 =	vadd.f32 v32, v62  }
0xde: {  	v62 =	vperm.xlane v25, v3;
	v46 =	vadd.f32 v63, v46;
	v61 =	vperm.xlane v38, v3  }
0xdf: {  	v48 =	vadd.f32 v48, v58;
	v51 =	vmul.f32 v52, v60;
	v59 =	vperm.xlane v32, v3  }
0xe0: {  	v25 =	vadd.f32 v25, v62;
	v60 =	vperm.xlane v44, v3;
	v62 =	vperm.xlane v46, v3  }
0xe1: {  	v38 =	vadd.f32 v61, v38;
	v39 =	vmul.f32 v51, v39;
	v52 =	vadd.f32 v32, v59  }
0xe2: {  	v44 =	vadd.f32 v60, v44;
	v63 =	vperm.xlane v25, v4;
	v60 =	vperm.xlane v48, v4  }
0xe3: {  	v46 =	vadd.f32 v62, v46;
	v58 =	vperm.xlane v38, v4;
	v39 =	vmul.f32 v39, v51  }
0xe4: {  	v61 =	vperm.xlane v52, v4;
	v25 =	vadd.f32 v25, v63;
	v48 =	vadd.f32 v48, v60  }
0xe5: {  	v63 =	vperm.xlane v44, v4;
	v38 =	vadd.f32 v58, v38;
	v62 =	vsub.f32 $1.500000000e+00, v39  }
0xe6: {  	v59 =	vadd.f32 v52, v61;
	v60 =	vmul.f32 $1.562500000e-02, v25;
	v25 =	vperm.xlane v46, v4  }
0xe7: {  	v39 =	vadd.f32 v63, v44;
	v44 =	vmul.f32 $1.562500000e-02, v48;
	v38 =	vmul.f32 $1.562500000e-02, v38  }
0xe8: {  	v32 =	vmul.f32 v62, v51;
	v48 =	vmul.f32 $1.562500000e-02, v59;
	v46 =	vadd.f32 v25, v46  }
0xe9: {  	v39 =	vmul.f32 $1.562500000e-02, v39;
	v61 =	vmul.f32 v60, v60;
	v25 =	vsub.f32 v54, v60  }
0xea: {  	v62 =	vmul.f32 v44, v44;
	v30 =	vsub.f32 v30, v60;
	v26 =	vsub.f32 v26, v60  }
0xeb: {  	v39 =	vsub.f32 v39, v61;
	v46 =	vmul.f32 $1.562500000e-02, v46;
	v56 =	vmul.f32 v48, v48  }
0xec: {  	v27 =	vsub.f32 v27, v60;
	v63 =	vmul.f32 v32, v14;
	v38 =	vsub.f32 v38, v62  }
0xed: {  	v14 =	vmul.f32 v24, v6;
	v24 =	vadd.f32 $9.999999970e-07, v39;
	v58 =	vsub.f32 v46, v56  }
0xee: {  	v28 =	vsub.f32 v28, v44;
	v51 =	vmul.f32 v63, v8;
	v38 =	vadd.f32 $9.999999970e-07, v38  }
0xef: {  	v59 =	vshrl.u32 v24, $0x1;
	v50 =	vmul.f32 $5.000000000e-01, v24;
	v24 =	vadd.f32 $9.999999970e-07, v58  }
0xf0: {  	v60 =	vshrl.u32 v38, $0x1;
	v52 =	vmul.f32 $5.000000000e-01, v38;
	v46 =	vsub.s32 $0x5F3759DF, v59  }
0xf1: {  	v53 =	vsub.s32 $0x5F3759DF, v60;
	v61 =	vshrl.u32 v24, $0x1;
	v62 =	vmul.f32 $5.000000000e-01, v24  }
0xf2: {  	v24 =	vmul.f32 v46, v50;
	v63 =	vmul.f32 v53, v52;
	v58 =	vsub.s32 $0x5F3759DF, v61  }
0xf3: {  	[tilespmem:s3+$0x70] =	vst v15;
	v39 =	vsub.f32 v29, v44;
	v29 =	vsub.f32 v31, v44;
	v15 =	vmul.f32 v58, v62  }
0xf4: {  	[tilespmem:s3+$0x40] =	vst v16;
	v31 =	vsub.f32 v34, v48;
	v16 =	vmul.f32 v46, v24;
	v60 =	vmul.f32 v53, v63  }
0xf5: {  	[tilespmem:s3+$0x50] =	vst v20;
	v38 =	vsub.f32 v37, v44;
	v59 =	vadd.f32 v51, v12;
	v20 =	vmul.f32 v58, v15  }
0xf6: {  	[tilespmem:s3+$0x60] =	vst v22;
	v19 =	vmul.f32 v32, v19;
	v22 =	vsub.f32 $1.500000000e+00, v16;
	v61 =	vsub.f32 $1.500000000e+00, v60  }
0xf7: {  	[tilespmem:s3+$0xFFFFFFA0] =	vst v45;
	v24 =	vsub.f32 v40, v48;
	v15 =	vmul.f32 v23, v7;
	v20 =	vsub.f32 $1.500000000e+00, v20  }
0xf8: {  	[tilespmem:s3+$0xFFFFFFB0] =	vst v47;
	v23 =	vsub.f32 v42, v48;
	v42 =	vmul.f32 v46, v22;
	v40 =	vmul.f32 v53, v61  }
0xf9: {  	[tilespmem:s3+$0xFFFFFF80] =	vst v49;
	v16 =	vmul.f32 v21, v8;
	v37 =	vmul.f32 v58, v20;
	v20 =	vsub.f32 v18, v35  }
0xfa: {  	[tilespmem:s3+$0xFFFFFFC0] =	vst v55;
	v63 =	vadd.f32 v33, v10;
	v21 =	vmul.f32 v42, v50;
	v22 =	vmul.f32 v40, v52  }
0xfb: {  	[tilespmem:s3+$0xFFFFFF90] =	vst v57;
	v18 =	vsub.f32 v17, v35;
	v62 =	vmul.f32 v37, v62;
	v17 =	vmul.f32 v32, v20  }
0xfc: {  	[tilespmem:s13+$0x70] =	vst v59;
	v33 =	vmul.f32 v21, v42;
	v35 =	vmul.f32 v22, v40;
	v20 =	vadd.f32 v41, v11  }
0xfd: {  	s18 =	simm.s32 $0x4;
	s20 =	simm.s32 $0xCA80;
	v34 =	vsub.f32 v43, v48;
	[tilespmem:s3+$0xFFFFFFD0] =	vst v63;
	v21 =	vadd.f32 v36, v12;
	v22 =	vmul.f32 v62, v37  }
.LBB2_5:
0xfe: {  	v36 =	vld [tilespmem:s20+$0x40];
	v33 =	vsub.f32 $1.500000000e+00, v33;
	v35 =	vsub.f32 $1.500000000e+00, v35;
	v18 =	vmul.f32 v32, v18;
	s15 =	sadd.s32 $0x100, s15;
	[tilespmem:s3+$0xFFFFFFE0] =	vst v20  }
0xff: {  	v17 =	vmul.f32 v17, v5;
	v20 =	vld [tilespmem:s15+$0x40];
	v22 =	vsub.f32 $1.500000000e+00, v22;
	v19 =	vmul.f32 v19, v6;
	[tilespmem:s3+$0xFFFFFFF0] =	vst v21  }
0x100: {  	v13 =	vadd.f32 v13, v9;
	v21 =	vld [tilespmem:s20+$0x50];
	v32 =	vmul.f32 v33, v42;
	v33 =	vmul.f32 v35, v40  }
0x101: {  	v14 =	vadd.f32 v14, v10;
	v18 =	vmul.f32 v18, v7;
	v35 =	vld [tilespmem:s15+$0x50];
	v22 =	vmul.f32 v22, v37  }
0x102: {  	v37 =	vld [tilespmem:s20+$0x60];
	v25 =	vmul.f32 v32, v25;
	v40 =	vmul.f32 v32, v30;
	[tilespmem:s3+$0x0] =	vst v13;
	v13 =	vadd.f32 v15, v11  }
0x103: {  	v26 =	vmul.f32 v32, v26;
	v27 =	vmul.f32 v32, v27;
	v15 =	vld [tilespmem:s15+$0x60];
	[tilespmem:s3+$0x10] =	vst v14;
	v14 =	vadd.f32 v16, v12  }
0x104: {  	v17 =	vadd.f32 v17, v9;
	v28 =	vmul.f32 v33, v28;
	v32 =	vmul.f32 v33, v39;
	v16 =	vld [tilespmem:s20+$0x70];
	[tilespmem:s3+$0x20] =	vst v13  }
0x105: {  	v19 =	vadd.f32 v19, v10;
	v29 =	vmul.f32 v33, v29;
	v33 =	vmul.f32 v33, v38;
	v13 =	vld [tilespmem:s15+$0x70];
	[tilespmem:s3+$0x30] =	vst v14;
	s3 =	smov.u32 s13;
	s13 =	smov.u32 s20  }
0x106: {  	s18 =	sadd.s32 $0x4, s18;
	v24 =	vmul.f32 v22, v24;
	v14 =	vmul.f32 v22, v31;
	v30 =	vld [tilespmem:s15+$0xFFFFFF80];
	[tilespmem:s3+$0x40] =	vst v17;
	v17 =	vadd.f32 v18, v11  }
0x107: {  	p0 =	slt.u32 s18, $0xFC;
	v38 =	vmul.f32 v22, v23;
	v34 =	vmul.f32 v22, v34;
	v31 =	vld [tilespmem:s20+$0xFFFFFF90];
	[tilespmem:s3+$0x50] =	vst v19  }
0x108: {  	v39 =	vmul.f32 v25, v5;
	v40 =	vmul.f32 v40, v6;
	v22 =	vld [tilespmem:s15+$0xFFFFFF90];
	[tilespmem:s3+$0x60] =	vst v17  }
0x109: {  	v18 =	vadd.f32 v35, v21;
	v35 =	vmul.f32 v26, v7;
	v17 =	vadd.f32 v20, v36;
	v41 =	vld [tilespmem:s20+$0xFFFFFFA0]  }
0x10a: {  	v19 =	vadd.f32 v15, v37;
	v36 =	vmul.f32 v27, v8;
	v26 =	vld [tilespmem:s15+$0xFFFFFFA0];
	v25 =	vadd.f32 v13, v16  }
0x10b: {  	v37 =	vmul.f32 v28, v5;
	v20 =	vmul.f32 v32, v6;
	v13 =	vadd.f32 v18, v17;
	v15 =	vld [tilespmem:s20+$0xFFFFFFB0]  }
0x10c: {  	v28 =	vmul.f32 v18, v18;
	v27 =	vmul.f32 v17, v17;
	v16 =	vld [tilespmem:s15+$0xFFFFFFB0];
	v21 =	vadd.f32 v25, v19  }
0x10d: {  	v32 =	vmul.f32 v19, v19;
	v42 =	vmul.f32 v25, v25;
	v23 =	vadd.f32 v22, v31;
	v31 =	vld [tilespmem:s20+$0xFFFFFFC0]  }
0x10e: {  	v22 =	vmul.f32 v29, v7;
	v43 =	vld [tilespmem:s15+$0xFFFFFFC0];
	v44 =	vadd.f32 v21, v13;
	v21 =	vmul.f32 v33, v8  }
0x10f: {  	v28 =	vadd.f32 v28, v27;
	v32 =	vadd.f32 v42, v32;
	v45 =	vmul.f32 v23, v23;
	v29 =	vld [tilespmem:s20+$0xFFFFFFD0]  }
0x110: {  	v13 =	vmul.f32 v14, v5;
	v14 =	vmul.f32 v24, v6;
	v26 =	vadd.f32 v26, v41;
	v33 =	vld [tilespmem:s15+$0xFFFFFFD0]  }
0x111: {  	v32 =	vadd.f32 v32, v28;
	v27 =	vadd.f32 v16, v15;
	v41 =	vld [tilespmem:s20+$0xFFFFFFE0];
	v16 =	vperm.xlane v44, v1  }
0x112: {  	v24 =	vadd.f32 v39, v9;
	v42 =	vmul.f32 v26, v26;
	v15 =	vmul.f32 v38, v7;
	v46 =	vld [tilespmem:s15+$0xFFFFFFE0]  }
0x113: {  	v39 =	vperm.xlane v32, v1;
	v28 =	vadd.f32 v43, v31;
	v31 =	vld [tilespmem:s20+$0xFFFFFFF0];
	v38 =	vadd.f32 v44, v16  }
0x114: {  	v43 =	vadd.f32 v27, v26;
	v44 =	vmul.f32 v27, v27;
	v16 =	vmul.f32 v34, v8;
	v47 =	vld [tilespmem:s15+$0xFFFFFFF0];
	[tilespmem:s3+$0xFFFFFF80] =	vst v24  }
0x115: {  	v32 =	vadd.f32 v39, v32;
	v24 =	vadd.f32 v33, v29;
	v33 =	vld [tilespmem:s20+$0x0];
	v34 =	vperm.xlane v38, v2  }
0x116: {  	v40 =	vadd.f32 v40, v10;
	v39 =	vadd.f32 v44, v42;
	v42 =	vmul.f32 v28, v28;
	v44 =	vld [tilespmem:s15+$0x0]  }
0x117: {  	v29 =	vadd.f32 v46, v41;
	v41 =	vld [tilespmem:s20+$0x10];
	v34 =	vadd.f32 v38, v34;
	v38 =	vperm.xlane v32, v2  }
0x118: {  	v35 =	vadd.f32 v35, v11;
	v46 =	vadd.f32 v24, v28;
	v48 =	vmul.f32 v24, v24;
	v49 =	vld [tilespmem:s15+$0x10];
	[tilespmem:s3+$0xFFFFFF90] =	vst v40  }
0x119: {  	v31 =	vadd.f32 v47, v31;
	v40 =	vld [tilespmem:s20+$0x20];
	v47 =	vperm.xlane v34, v3;
	v32 =	vadd.f32 v38, v32  }
0x11a: {  	v38 =	vadd.f32 v48, v42;
	v42 =	vmul.f32 v29, v29;
	v48 =	vld [tilespmem:s15+$0x20];
	[tilespmem:s3+$0xFFFFFFA0] =	vst v35;
	v35 =	vadd.f32 v36, v12  }
0x11b: {  	v33 =	vadd.f32 v44, v33;
	v44 =	vld [tilespmem:s20+$0x30];
	v47 =	vadd.f32 v34, v47;
	v36 =	vperm.xlane v32, v3  }
0x11c: {  	v50 =	vadd.f32 v31, v29;
	v51 =	vmul.f32 v31, v31;
	v52 =	vld [tilespmem:s15+$0x30];
	[tilespmem:s3+$0xFFFFFFB0] =	vst v35;
	v35 =	vadd.f32 v37, v9  }
0x11d: {  	v53 =	vld [tilespmem:s20+$0xFFFFFF80];
	v34 =	vadd.f32 v49, v41;
	v37 =	vperm.xlane v47, v4;
	v32 =	vadd.f32 v36, v32  }
0x11e: {  	v41 =	vadd.f32 v50, v46;
	v42 =	vadd.f32 v51, v42;
	v46 =	vmul.f32 v33, v33;
	[tilespmem:s3+$0xFFFFFFC0] =	vst v35  }
0x11f: {  	v36 =	vadd.f32 v48, v40;
	v35 =	vadd.f32 v47, v37;
	v40 =	vperm.xlane v32, v4  }
0x120: {  	v38 =	vadd.f32 v42, v38;
	v42 =	vadd.f32 v34, v33;
	v47 =	vmul.f32 v34, v34  }
0x121: {  	v37 =	vadd.f32 v52, v44;
	v35 =	vmul.f32 $1.562500000e-02, v35;
	v32 =	vadd.f32 v40, v32  }
0x122: {  	v40 =	vadd.f32 v47, v46;
	v44 =	vmul.f32 v36, v36;
	v30 =	vadd.f32 v30, v53  }
0x123: {  	v46 =	vadd.f32 v37, v36;
	v32 =	vmul.f32 $1.562500000e-02, v32;
	v47 =	vmul.f32 v35, v35  }
0x124: {  	v50 =	vmul.f32 v37, v37;
	v48 =	vadd.f32 v23, v30;
	v49 =	vmul.f32 v30, v30  }
0x125: {  	v51 =	vperm.xlane v41, v1;
	v42 =	vadd.f32 v46, v42;
	v32 =	vsub.f32 v32, v47  }
0x126: {  	v46 =	vperm.xlane v38, v1;
	v43 =	vadd.f32 v43, v48;
	v45 =	vadd.f32 v45, v49  }
0x127: {  	v44 =	vadd.f32 v50, v44;
	v47 =	vperm.xlane v42, v1;
	v32 =	vadd.f32 $9.999999970e-07, v32  }
0x128: {  	v41 =	vadd.f32 v41, v51;
	v39 =	vadd.f32 v39, v45;
	v45 =	vperm.xlane v43, v1  }
0x129: {  	v40 =	vadd.f32 v44, v40;
	v44 =	vshrl.u32 v32, $0x1;
	v32 =	vmul.f32 $5.000000000e-01, v32  }
0x12a: {  	v43 =	vadd.f32 v43, v45;
	v45 =	vperm.xlane v39, v1;
	v44 =	vsub.s32 $0x5F3759DF, v44  }
0x12b: {  	v42 =	vadd.f32 v42, v47;
	v47 =	vperm.xlane v40, v1;
	v48 =	vmul.f32 v44, v32  }
0x12c: {  	v49 =	vperm.xlane v43, v2;
	v39 =	vadd.f32 v45, v39;
	v45 =	vperm.xlane v41, v2  }
0x12d: {  	v38 =	vadd.f32 v46, v38;
	v46 =	vperm.xlane v42, v2;
	v48 =	vmul.f32 v44, v48  }
0x12e: {  	v40 =	vadd.f32 v47, v40;
	v43 =	vadd.f32 v43, v49;
	v49 =	vperm.xlane v39, v2  }
0x12f: {  	v41 =	vadd.f32 v41, v45;
	v45 =	vperm.xlane v38, v2;
	v47 =	vsub.f32 $1.500000000e+00, v48  }
0x130: {  	v42 =	vadd.f32 v42, v46;
	v46 =	vperm.xlane v40, v2;
	v48 =	vperm.xlane v43, v3  }
0x131: {  	v39 =	vadd.f32 v49, v39;
	v49 =	vperm.xlane v41, v3;
	v44 =	vmul.f32 v44, v47  }
0x132: {  	v40 =	vadd.f32 v46, v40;
	v38 =	vadd.f32 v45, v38;
	v45 =	vperm.xlane v42, v3  }
0x133: {  	v43 =	vadd.f32 v43, v48;
	v46 =	vperm.xlane v39, v3;
	v32 =	vmul.f32 v44, v32  }
0x134: {  	v41 =	vadd.f32 v41, v49;
	v47 =	vperm.xlane v38, v3;
	v42 =	vadd.f32 v42, v45  }
0x135: {  	v45 =	vperm.xlane v40, v3;
	v39 =	vadd.f32 v46, v39;
	v32 =	vmul.f32 v32, v44  }
0x136: {  	v46 =	vperm.xlane v43, v4;
	v48 =	vperm.xlane v41, v4;
	v38 =	vadd.f32 v47, v38  }
0x137: {  	v47 =	vperm.xlane v42, v4;
	v40 =	vadd.f32 v45, v40;
	v32 =	vsub.f32 $1.500000000e+00, v32  }
0x138: {  	v43 =	vadd.f32 v43, v46;
	v45 =	vperm.xlane v39, v4;
	v41 =	vadd.f32 v41, v48  }
0x139: {  	v25 =	vsub.f32 v25, v35;
	v46 =	vperm.xlane v38, v4;
	v32 =	vmul.f32 v32, v44  }
0x13a: {  	v42 =	vadd.f32 v42, v47;
	v43 =	vmul.f32 $1.562500000e-02, v43;
	v44 =	vperm.xlane v40, v4  }
0x13b: {  	v39 =	vadd.f32 v45, v39;
	v41 =	vmul.f32 $1.562500000e-02, v41;
	v45 =	vmul.f32 v32, v25  }
0x13c: {  	v38 =	vadd.f32 v46, v38;
	v46 =	vmul.f32 $1.562500000e-02, v42;
	v40 =	vadd.f32 v44, v40  }
0x13d: {  	v39 =	vmul.f32 $1.562500000e-02, v39;
	v25 =	vsub.f32 v30, v43;
	v42 =	vmul.f32 v45, v8  }
0x13e: {  	v44 =	vmul.f32 v43, v43;
	v30 =	vsub.f32 v23, v43;
	v23 =	vmul.f32 $1.562500000e-02, v38  }
0x13f: {  	v38 =	vmul.f32 v41, v41;
	v40 =	vmul.f32 $1.562500000e-02, v40;
	v42 =	vadd.f32 v42, v12  }
0x140: {  	v26 =	vsub.f32 v26, v43;
	v39 =	vsub.f32 v39, v44;
	v44 =	vmul.f32 v46, v46  }
0x141: {  	v27 =	vsub.f32 v27, v43;
	v23 =	vsub.f32 v23, v38;
	[tilespmem:s20+$0x70] =	vst v42  }
0x142: {  	v38 =	vadd.f32 $9.999999970e-07, v39;
	v39 =	vsub.f32 v40, v44  }
0x143: {  	v28 =	vsub.f32 v28, v41;
	v23 =	vadd.f32 $9.999999970e-07, v23  }
0x144: {  	v40 =	vshrl.u32 v38, $0x1;
	v43 =	vmul.f32 $5.000000000e-01, v38;
	v38 =	vadd.f32 $9.999999970e-07, v39  }
0x145: {  	v39 =	vshrl.u32 v23, $0x1;
	v44 =	vmul.f32 $5.000000000e-01, v23;
	v40 =	vsub.s32 $0x5F3759DF, v40  }
0x146: {  	v45 =	vsub.s32 $0x5F3759DF, v39;
	v23 =	vshrl.u32 v38, $0x1;
	v47 =	vmul.f32 $5.000000000e-01, v38  }
0x147: {  	v38 =	vmul.f32 v40, v43;
	v42 =	vmul.f32 v45, v44;
	v48 =	vsub.s32 $0x5F3759DF, v23  }
0x148: {  	v29 =	vsub.f32 v29, v41;
	v39 =	vsub.f32 v24, v41;
	v23 =	vmul.f32 v48, v47  }
0x149: {  	v49 =	vmul.f32 v40, v38;
	v42 =	vmul.f32 v45, v42;
	v38 =	vsub.f32 v31, v41  }
0x14a: {  	v24 =	vsub.f32 v34, v46;
	v31 =	vsub.f32 v33, v46;
	v23 =	vmul.f32 v48, v23  }
0x14b: {  	v33 =	vsub.f32 $1.500000000e+00, v49;
	v34 =	vsub.f32 $1.500000000e+00, v42  }
0x14c: {  	v41 =	vsub.f32 $1.500000000e+00, v23;
	v23 =	vsub.f32 v36, v46  }
0x14d: {  	v42 =	vmul.f32 v40, v33;
	v40 =	vmul.f32 v45, v34;
	v34 =	vsub.f32 v37, v46  }
.Ltmp1:
0x14e: {  	v17 =	vsub.f32 v17, v35;
	v36 =	vsub.f32 v18, v35;
	v37 =	vmul.f32 v48, v41;
	(pc) =	sbr.rel @p0 .LBB2_5-.Ltmp1, $4  }
0x14f: {  	v18 =	vsub.f32 v19, v35;
	v33 =	vmul.f32 v42, v43;
	v41 =	vmul.f32 v40, v44  }
0x150: {  	v17 =	vmul.f32 v32, v17;
	v43 =	vadd.f32 v20, v10;
	v19 =	vmul.f32 v37, v47  }
0x151: {  	v20 =	vadd.f32 v22, v11;
	v33 =	vmul.f32 v33, v42;
	v35 =	vmul.f32 v41, v40  }
0x152: {  	v21 =	vadd.f32 v21, v12;
	s20 =	sadd.s32 $0x100, s20;
	v22 =	vmul.f32 v19, v37;
	v19 =	vmul.f32 v32, v36;
	[tilespmem:s3+$0xFFFFFFD0] =	vst v43  }
0x153: {  	v33 =	vsub.f32 $1.500000000e+00, v33;
	v35 =	vsub.f32 $1.500000000e+00, v35  }
0x154: {  	v18 =	vmul.f32 v32, v18;
	[tilespmem:s3+$0xFFFFFFE0] =	vst v20;
	v13 =	vadd.f32 v13, v9;
	v17 =	vmul.f32 v17, v5  }
0x155: {  	v14 =	vadd.f32 v14, v10;
	v20 =	vsub.f32 $1.500000000e+00, v22;
	[tilespmem:s3+$0xFFFFFFF0] =	vst v21;
	v21 =	vmul.f32 v33, v42  }
0x156: {  	v19 =	vmul.f32 v19, v6;
	v22 =	vmul.f32 v35, v40;
	[tilespmem:s3+$0x0] =	vst v13;
	v13 =	vadd.f32 v15, v11  }
0x157: {  	[tilespmem:s3+$0x10] =	vst v14;
	v14 =	vadd.f32 v16, v12;
	v15 =	vmul.f32 v20, v37;
	v20 =	vmul.f32 v21, v25  }
0x158: {  	v16 =	vmul.f32 v18, v7;
	v17 =	vadd.f32 v17, v9;
	v18 =	vmul.f32 v21, v30;
	[tilespmem:s3+$0x20] =	vst v13  }
0x159: {  	v19 =	vadd.f32 v19, v10;
	v13 =	vmul.f32 v21, v26;
	[tilespmem:s3+$0x30] =	vst v14;
	v14 =	vmul.f32 v20, v5  }
0x15a: {  	[tilespmem:s13+$0x40] =	vst v17;
	v16 =	vadd.f32 v16, v11;
	v20 =	vmul.f32 v21, v27;
	v17 =	vmul.f32 v18, v6  }
0x15b: {  	[tilespmem:s13+$0x50] =	vst v19;
	v18 =	vmul.f32 v22, v28;
	v13 =	vmul.f32 v13, v7;
	v14 =	vadd.f32 v14, v9  }
0x15c: {  	v19 =	vmul.f32 v22, v39;
	[tilespmem:s13+$0x60] =	vst v16;
	v16 =	vmul.f32 v20, v8;
	v17 =	vadd.f32 v17, v10  }
0x15d: {  	v20 =	vmul.f32 v22, v29;
	v18 =	vmul.f32 v18, v5;
	v13 =	vadd.f32 v13, v11;
	[tilespmem:s13+$0xFFFFFF80] =	vst v14  }
0x15e: {  	v19 =	vmul.f32 v19, v6;
	v14 =	vmul.f32 v22, v38;
	[tilespmem:s13+$0xFFFFFF90] =	vst v17;
	v16 =	vadd.f32 v16, v12  }
0x15f: {  	v17 =	vmul.f32 v15, v31;
	v20 =	vmul.f32 v20, v7;
	[tilespmem:s13+$0xFFFFFFA0] =	vst v13;
	v13 =	vadd.f32 v18, v9  }
0x160: {  	v18 =	vmul.f32 v15, v24;
	v14 =	vmul.f32 v14, v8;
	[tilespmem:s13+$0xFFFFFFB0] =	vst v16;
	v16 =	vadd.f32 v19, v10  }
0x161: {  	v19 =	vmul.f32 v15, v23;
	v17 =	vmul.f32 v17, v5;
	[tilespmem:s13+$0xFFFFFFC0] =	vst v13;
	v13 =	vadd.f32 v20, v11  }
0x162: {  	v15 =	vmul.f32 v15, v34;
	v18 =	vmul.f32 v18, v6;
	[tilespmem:s13+$0xFFFFFFD0] =	vst v16;
	v14 =	vadd.f32 v14, v12  }
0x163: {  	v16 =	vmul.f32 v19, v7;
	[tilespmem:s13+$0xFFFFFFE0] =	vst v13;
	v13 =	vadd.f32 v17, v9  }
0x164: {  	v15 =	vmul.f32 v15, v8;
	[tilespmem:s13+$0xFFFFFFF0] =	vst v14;
	v14 =	vadd.f32 v18, v10  }
0x165: {  	s18 =	sshll.u32 s0, $0xF;
	[tilespmem:s13+$0x0] =	vst v13;
	v13 =	vadd.f32 v16, v11  }
0x166: {  	s3 =	sadd.s32 s10, s18;
	[tilespmem:s13+$0x10] =	vst v14;
	v14 =	vadd.f32 v15, v12  }
0x167: {  	s3 =	sshrl.u32 s3, $0x3;
	[tilespmem:s13+$0x20] =	vst v13  }
0x168: {  	p0 =	seq.s32 s0, $0x31;
	s3 =	sadd.s32 s4, s3;
	[tilespmem:s13+$0x30] =	vst v14  }
0x169: {  	[hbm4b:s3+s5] =	stream.linear.scatter [tilespmem:s19], [sflag:$0x3], $0x4000, $0x38;
	[tilespmem:$0x1C880] =	vst v63  }
0x16a: {  	s3 =	simm.s32 @!p0 $0x3  }
0x16b: {  	_ =	swait.ge @!p0 [sflag:s3], $0x4000  }
0x16c: {  	[sflag:s3] =	ssyncset.done @!p0 $0x0  }
0x16d: {  	[sflag:s3] =	ssyncadd.s32 @!p0 $0xFFFFC000;
	s3 =	sshll.u32 @!p0 s0, $0x9  }
0x16e: {  	s15 =	simm.s32 @!p0 $0x80;
	s18 =	simm.s32 @!p0 $0x14800;
	s13 =	sadd.s32 @!p0 $0x6600, s3  }
0x16f: {  	[tilespmem:s18], [sflag:$0x1] =	stream.indirect.gather @!p0 [hbm4b:s7+s15], $0x40, s13, s15, $0xb8;
	[tilespmem:$0x1C880] =	vst v63  }
0x170: {  	s13 =	sadd.s32 @!p0 $0x200, s3;
	s18 =	simm.s32 @!p0 $0xC800  }
0x171: {  	[tilespmem:s18], [sflag:$0x1] =	stream.indirect.gather @!p0 [hbm4b:s6+s15], $0x40, s13, s15, $0xb8;
	[tilespmem:$0x1C880] =	vst v63  }
0x172: {  	s13 =	sadd.s32 @!p0 $0x6680, s3;
	s18 =	simm.s32 @!p0 $0x16800  }
0x173: {  	[tilespmem:s18], [sflag:$0x1] =	stream.indirect.gather @!p0 [hbm4b:s7+s15], $0x40, s13, s15, $0xb8;
	[tilespmem:$0x1C880] =	vst v63  }
0x174: {  	s3 =	sadd.s32 @!p0 $0x280, s3;
	s13 =	simm.s32 @!p0 $0xE800  }
0x175: {  	[tilespmem:s13], [sflag:$0x1] =	stream.indirect.gather @!p0 [hbm4b:s6+s15], $0x40, s3, s15, $0xb8;
	[tilespmem:$0x1C880] =	vst v63  }
0x176: {  	_ =	swait.ge [sflag:s29], $0x4000  }
0x177: {  	[sflag:s29] =	ssyncset.done $0x0  }
0x178: {  	[sflag:s29] =	ssyncadd.s32 $0xFFFFC000  }
0x179: {  	_ =	swait.ge [sflag:s29], $0x4000  }
0x17a: {  	[sflag:s29] =	ssyncset.done $0x0  }
0x17b: {  	s3 =	simm.s32 $0x10880;
	[sflag:s29] =	ssyncadd.s32 $0xFFFFC000  }
0x17c: {  	s20 =	simm.s32 $0x18880;
	v13 =	vld [tilespmem:s3+$0x40]  }
0x17d: {  	v14 =	vld [tilespmem:s20+$0x40]  }
0x17e: {  	v15 =	vld [tilespmem:s3+$0x50]  }
0x17f: {  	v17 =	vld [tilespmem:s20+$0x50]  }
0x180: {  	v18 =	vld [tilespmem:s3+$0x60]  }
0x181: {  	v19 =	vld [tilespmem:s20+$0x60]  }
0x182: {  	v20 =	vld [tilespmem:s3+$0x70]  }
0x183: {  	v21 =	vld [tilespmem:s20+$0x70]  }
0x184: {  	v29 =	vld [tilespmem:s20+$0xFFFFFF80]  }
0x185: {  	v22 =	vld [tilespmem:s3+$0xFFFFFF90]  }
0x186: {  	v23 =	vld [tilespmem:s20+$0xFFFFFF90]  }
0x187: {  	v24 =	vld [tilespmem:s3+$0xFFFFFFA0]  }
0x188: {  	v27 =	vld [tilespmem:s3+$0xFFFFFFC0]  }
0x189: {  	v31 =	vld [tilespmem:s20+$0xFFFFFFC0]  }
0x18a: {  	v51 =	vld [tilespmem:s3+$0xFFFFFFF0];
	v16 =	vadd.f32 v14, v13;
	v14 =	vadd.f32 v17, v15  }
0x18b: {  	v17 =	vld [tilespmem:s20+$0xFFFFFFA0];
	v13 =	vadd.f32 v19, v18;
	v15 =	vadd.f32 v21, v20  }
0x18c: {  	v18 =	vld [tilespmem:s3+$0xFFFFFFB0];
	v19 =	vadd.f32 v14, v16  }
0x18d: {  	v20 =	vld [tilespmem:s20+$0xFFFFFFB0];
	v21 =	vadd.f32 v15, v13;
	v25 =	vmul.f32 v16, v16;
	v26 =	vmul.f32 v14, v14  }
0x18e: {  	v43 =	vld [tilespmem:s3+$0xFFFFFF80];
	v28 =	vmul.f32 v13, v13;
	v30 =	vmul.f32 v15, v15  }
0x18f: {  	v19 =	vadd.f32 v21, v19;
	v21 =	vld [tilespmem:s3+$0xFFFFFFD0]  }
0x190: {  	v25 =	vadd.f32 v26, v25;
	v26 =	vadd.f32 v30, v28;
	v28 =	vld [tilespmem:s20+$0xFFFFFFD0]  }
0x191: {  	v30 =	vld [tilespmem:s3+$0xFFFFFFE0];
	v17 =	vadd.f32 v17, v24  }
0x192: {  	v24 =	vld [tilespmem:s20+$0xFFFFFFE0];
	v18 =	vadd.f32 v20, v18;
	v26 =	vadd.f32 v26, v25;
	v25 =	vperm.xlane v19, v1  }
0x193: {  	v20 =	vadd.f32 v31, v27;
	v27 =	vld [tilespmem:s20+$0xFFFFFFF0]  }
0x194: {  	v29 =	vadd.f32 v29, v43;
	v31 =	vmul.f32 v18, v18;
	v19 =	vadd.f32 v19, v25  }
0x195: {  	v53 =	vld [tilespmem:s3+$0x0];
	v52 =	vperm.xlane v26, v1;
	v25 =	vadd.f32 v23, v22;
	v22 =	vmul.f32 v17, v17  }
0x196: {  	v57 =	vld [tilespmem:s3+$0x20];
	v36 =	vadd.f32 v18, v17;
	v23 =	vadd.f32 v28, v21  }
0x197: {  	v59 =	vld [tilespmem:s20+$0x20];
	v55 =	vmul.f32 v20, v20;
	v33 =	vadd.f32 v52, v26;
	v31 =	vadd.f32 v31, v22  }
0x198: {  	v21 =	vld [tilespmem:s20+$0x0];
	v54 =	vperm.xlane v19, v2;
	v26 =	vadd.f32 v24, v30;
	v27 =	vadd.f32 v27, v51  }
0x199: {  	v22 =	vld [tilespmem:s3+$0x10];
	v51 =	vmul.f32 v25, v25;
	v24 =	vmul.f32 v23, v23;
	v56 =	vadd.f32 v23, v20  }
0x19a: {  	v30 =	vld [tilespmem:s20+$0x10];
	v19 =	vadd.f32 v19, v54;
	v28 =	vperm.xlane v33, v2;
	v63 =	vadd.f32 v27, v26  }
0x19b: {  	v54 =	vadd.f32 v25, v29;
	v24 =	vadd.f32 v24, v55;
	v55 =	vmul.f32 v29, v29  }
0x19c: {  	v58 =	vperm.xlane v19, v3;
	v28 =	vadd.f32 v28, v33;
	v34 =	vadd.f32 v63, v56  }
0x19d: {  	v60 =	vmul.f32 v26, v26;
	v36 =	vadd.f32 v36, v54;
	v32 =	vadd.f32 v51, v55  }
0x19e: {  	v41 =	vmul.f32 v27, v27;
	v39 =	vadd.f32 v19, v58;
	v19 =	vadd.f32 v21, v53  }
0x19f: {  	v61 =	vld [tilespmem:s3+$0x30];
	v62 =	vperm.xlane v28, v3;
	v21 =	vadd.f32 v30, v22;
	v22 =	vadd.f32 v59, v57  }
0x1a0: {  	v45 =	vld [tilespmem:s20+$0x30];
	v57 =	vperm.xlane v34, v1;
	v59 =	vperm.xlane v36, v1;
	v31 =	vadd.f32 v31, v32  }
0x1a1: {  	v30 =	vperm.xlane v39, v4;
	v40 =	vadd.f32 v62, v28;
	v28 =	vadd.f32 v41, v60  }
0x1a2: {  	v47 =	vmul.f32 v19, v19;
	v49 =	vadd.f32 v21, v19;
	v50 =	vmul.f32 v21, v21  }
0x1a3: {  	v53 =	vmul.f32 v22, v22;
	v34 =	vadd.f32 v34, v57;
	v32 =	vadd.f32 v36, v59  }
0x1a4: {  	v62 =	vperm.xlane v31, v1;
	v30 =	vadd.f32 v39, v30;
	v48 =	vadd.f32 v28, v24  }
0x1a5: {  	v46 =	vperm.xlane v40, v4;
	v24 =	vadd.f32 v45, v61;
	v33 =	vadd.f32 v50, v47  }
0x1a6: {  	v45 =	vperm.xlane v32, v2;
	v31 =	vadd.f32 v62, v31;
	v28 =	vmul.f32 $1.562500000e-02, v30  }
0x1a7: {  	v30 =	vadd.f32 v46, v40;
	v42 =	vadd.f32 v24, v22;
	v56 =	vmul.f32 v24, v24  }
0x1a8: {  	v58 =	vperm.xlane v48, v1;
	v46 =	vperm.xlane v34, v2;
	v32 =	vadd.f32 v32, v45  }
0x1a9: {  	v30 =	vmul.f32 $1.562500000e-02, v30;
	v38 =	vadd.f32 v42, v49;
	v39 =	vadd.f32 v56, v53  }
0x1aa: {  	v52 =	vmul.f32 v28, v28;
	v37 =	vadd.f32 v58, v48;
	v34 =	vadd.f32 v34, v46  }
0x1ab: {  	v48 =	vperm.xlane v31, v2;
	v15 =	vsub.f32 v15, v28;
	v16 =	vsub.f32 v16, v28  }
0x1ac: {  	v51 =	vperm.xlane v32, v3;
	v14 =	vsub.f32 v14, v28;
	v13 =	vsub.f32 v13, v28  }
0x1ad: {  	v30 =	vsub.f32 v30, v52;
	v60 =	vperm.xlane v38, v1;
	v33 =	vadd.f32 v39, v33  }
0x1ae: {  	v49 =	vperm.xlane v37, v2;
	v31 =	vadd.f32 v48, v31;
	v53 =	vperm.xlane v34, v3  }
0x1af: {  	v32 =	vadd.f32 v32, v51;
	v30 =	vadd.f32 $9.999999970e-07, v30;
	v39 =	vperm.xlane v33, v1  }
0x1b0: {  	v38 =	vadd.f32 v38, v60;
	v36 =	vadd.f32 v49, v37;
	v55 =	vperm.xlane v31, v3  }
0x1b1: {  	v34 =	vadd.f32 v34, v53;
	v58 =	vperm.xlane v32, v4;
	v61 =	vshrl.u32 v30, $0x1  }
0x1b2: {  	v30 =	vmul.f32 $5.000000000e-01, v30;
	v47 =	vperm.xlane v38, v2;
	v33 =	vadd.f32 v39, v33  }
0x1b3: {  	v56 =	vperm.xlane v36, v3;
	v31 =	vadd.f32 v55, v31;
	v35 =	vsub.s32 $0x5F3759DF, v61  }
0x1b4: {  	v59 =	vperm.xlane v34, v4;
	v32 =	vadd.f32 v32, v58;
	v63 =	vmul.f32 v35, v30  }
0x1b5: {  	v38 =	vadd.f32 v38, v47;
	v52 =	vperm.xlane v33, v2;
	v36 =	vadd.f32 v56, v36  }
0x1b6: {  	v61 =	vperm.xlane v31, v4;
	v34 =	vadd.f32 v34, v59;
	v32 =	vmul.f32 $1.562500000e-02, v32  }
0x1b7: {  	v41 =	vmul.f32 v35, v63;
	v54 =	vperm.xlane v38, v3;
	v33 =	vadd.f32 v52, v33  }
0x1b8: {  	v62 =	vperm.xlane v36, v4;
	v31 =	vadd.f32 v61, v31;
	v34 =	vmul.f32 $1.562500000e-02, v34  }
0x1b9: {  	v42 =	vmul.f32 v32, v32;
	v29 =	vsub.f32 v29, v32;
	v50 =	vsub.f32 $1.500000000e+00, v41  }
0x1ba: {  	v37 =	vadd.f32 v38, v54;
	v57 =	vperm.xlane v33, v3;
	v31 =	vmul.f32 $1.562500000e-02, v31  }
0x1bb: {  	v25 =	vsub.f32 v25, v32;
	v17 =	vsub.f32 v17, v32;
	v35 =	vmul.f32 v35, v50  }
0x1bc: {  	v60 =	vperm.xlane v37, v4;
	v33 =	vadd.f32 v57, v33;
	v31 =	vsub.f32 v31, v42  }
0x1bd: {  	v36 =	vadd.f32 v62, v36;
	v43 =	vmul.f32 v34, v34;
	v30 =	vmul.f32 v35, v30  }
0x1be: {  	v37 =	vadd.f32 v37, v60;
	v63 =	vperm.xlane v33, v4;
	v31 =	vadd.f32 $9.999999970e-07, v31  }
0x1bf: {  	v18 =	vsub.f32 v18, v32;
	v36 =	vmul.f32 $1.562500000e-02, v36;
	v30 =	vmul.f32 v30, v35  }
0x1c0: {  	v37 =	vmul.f32 $1.562500000e-02, v37;
	v33 =	vadd.f32 v63, v33;
	v46 =	vshrl.u32 v31, $0x1  }
0x1c1: {  	v45 =	vsub.f32 v36, v43;
	v31 =	vmul.f32 $5.000000000e-01, v31;
	v36 =	vsub.s32 $0x5F3759DF, v46  }
0x1c2: {  	v30 =	vsub.f32 $1.500000000e+00, v30;
	v33 =	vmul.f32 $1.562500000e-02, v33;
	v44 =	vmul.f32 v37, v37  }
0x1c3: {  	v20 =	vsub.f32 v20, v34;
	v23 =	vsub.f32 v23, v34;
	v49 =	vmul.f32 v36, v31  }
0x1c4: {  	v30 =	vmul.f32 v30, v35;
	v33 =	vsub.f32 v33, v44;
	v35 =	vadd.f32 $9.999999970e-07, v45  }
0x1c5: {  	v26 =	vsub.f32 v26, v34;
	v27 =	vsub.f32 v27, v34;
	v40 =	vmul.f32 v36, v49  }
0x1c6: {  	v33 =	vadd.f32 $9.999999970e-07, v33;
	v47 =	vshrl.u32 v35, $0x1;
	v35 =	vmul.f32 $5.000000000e-01, v35  }
0x1c7: {  	v61 =	vsub.f32 v19, v37;
	v40 =	vsub.f32 $1.500000000e+00, v40;
	v38 =	vsub.s32 $0x5F3759DF, v47  }
0x1c8: {  	v48 =	vshrl.u32 v33, $0x1;
	v33 =	vmul.f32 $5.000000000e-01, v33;
	v50 =	vmul.f32 v38, v35  }
0x1c9: {  	s15 =	simm.s32 $0x18980;
	v15 =	vmul.f32 v30, v15;
	v52 =	vmul.f32 v36, v40;
	v39 =	vsub.s32 $0x5F3759DF, v48  }
0x1ca: {  	s13 =	simm.s32 $0x10980;
	v58 =	vld [tilespmem:s15+$0x50];
	v21 =	vsub.f32 v21, v37;
	v51 =	vmul.f32 v39, v33;
	v41 =	vmul.f32 v38, v50  }
0x1cb: {  	v57 =	vld [tilespmem:s13+$0x50];
	v63 =	vsub.f32 v22, v37;
	v16 =	vmul.f32 v30, v16;
	v31 =	vmul.f32 v52, v31  }
0x1cc: {  	v55 =	vld [tilespmem:s13+$0x40];
	v14 =	vmul.f32 v30, v14;
	v42 =	vmul.f32 v39, v51;
	v41 =	vsub.f32 $1.500000000e+00, v41  }
0x1cd: {  	v56 =	vld [tilespmem:s15+$0x40];
	v37 =	vsub.f32 v24, v37;
	v13 =	vmul.f32 v30, v13;
	v31 =	vmul.f32 v31, v52  }
0x1ce: {  	v59 =	vld [tilespmem:s13+$0x60];
	v15 =	vmul.f32 v15, v8;
	v42 =	vsub.f32 $1.500000000e+00, v42;
	v53 =	vmul.f32 v38, v41  }
0x1cf: {  	v60 =	vld [tilespmem:s15+$0x60];
	v16 =	vmul.f32 v16, v5;
	v44 =	vmul.f32 v14, v6;
	v31 =	vsub.f32 $1.500000000e+00, v31  }
0x1d0: {  	v19 =	vadd.f32 v58, v57;
	v30 =	vld [tilespmem:s13+$0x70];
	v54 =	vmul.f32 v39, v42;
	v35 =	vmul.f32 v53, v35  }
0x1d1: {  	v13 =	vmul.f32 v13, v7;
	v15 =	vadd.f32 v15, v12;
	v14 =	vmul.f32 v31, v52;
	v31 =	vld [tilespmem:s15+$0x70]  }
0x1d2: {  	v16 =	vadd.f32 v16, v9;
	v33 =	vmul.f32 v54, v33;
	v35 =	vmul.f32 v35, v53  }
0x1d3: {  	v46 =	vld [tilespmem:s15+$0xFFFFFF90];
	v29 =	vmul.f32 v14, v29;
	v47 =	vmul.f32 v14, v18;
	v18 =	vadd.f32 v56, v55  }
0x1d4: {  	v57 =	vld [tilespmem:s15+$0xFFFFFFC0];
	v25 =	vmul.f32 v14, v25;
	v45 =	vmul.f32 v14, v17;
	v17 =	vadd.f32 v60, v59  }
0x1d5: {  	v58 =	vld [tilespmem:s13+$0xFFFFFFD0];
	v28 =	vmul.f32 v33, v54;
	v35 =	vsub.f32 $1.500000000e+00, v35;
	v22 =	vadd.f32 v19, v18  }
0x1d6: {  	v40 =	vld [tilespmem:s13+$0xFFFFFFC0];
	v24 =	vmul.f32 v18, v18;
	v45 =	vmul.f32 v45, v7;
	v14 =	vadd.f32 v31, v30  }
0x1d7: {  	v48 =	vld [tilespmem:s13+$0xFFFFFFA0];
	v47 =	vmul.f32 v47, v8;
	v28 =	vsub.f32 $1.500000000e+00, v28;
	v62 =	vmul.f32 v35, v53  }
0x1d8: {  	v38 =	vld [tilespmem:s15+$0xFFFFFFF0];
	v42 =	vmul.f32 v17, v17;
	v45 =	vadd.f32 v45, v11;
	v49 =	vmul.f32 v14, v14  }
0x1d9: {  	v55 =	vld [tilespmem:s15+$0xFFFFFFA0];
	v47 =	vadd.f32 v47, v12;
	v28 =	vmul.f32 v28, v54;
	v33 =	vmul.f32 v62, v23  }
0x1da: {  	v30 =	vld [tilespmem:s13+$0xFFFFFFB0];
	v41 =	vmul.f32 v62, v26;
	v23 =	vadd.f32 v14, v17;
	v26 =	vmul.f32 v19, v19  }
0x1db: {  	v31 =	vld [tilespmem:s15+$0xFFFFFFB0];
	v34 =	vmul.f32 v62, v20;
	v32 =	vmul.f32 v62, v27;
	v27 =	vadd.f32 v49, v42  }
0x1dc: {  	v56 =	vld [tilespmem:s13+$0xFFFFFFE0];
	v49 =	vmul.f32 v29, v5;
	v50 =	vadd.f32 v23, v22;
	v26 =	vadd.f32 v26, v24  }
0x1dd: {  	v51 =	vmul.f32 v28, v61;
	v24 =	vmul.f32 v28, v21;
	v22 =	vadd.f32 v13, v11;
	v13 =	vld [tilespmem:s15+$0xFFFFFFD0]  }
0x1de: {  	v54 =	vld [tilespmem:s13+$0xFFFFFF90];
	v23 =	vmul.f32 v28, v63;
	v21 =	vmul.f32 v28, v37;
	v28 =	vadd.f32 v27, v26  }
0x1df: {  	v20 =	vadd.f32 v44, v10;
	v42 =	vld [tilespmem:s13+$0xFFFFFFF0];
	v59 =	vperm.xlane v50, v1;
	v26 =	vadd.f32 v55, v48  }
0x1e0: {  	v60 =	vld [tilespmem:s15+$0xFFFFFFE0];
	v49 =	vadd.f32 v49, v9;
	v27 =	vadd.f32 v31, v30;
	v29 =	vperm.xlane v28, v1  }
0x1e1: {  	v63 =	vld [tilespmem:s13+$0x0];
	v55 =	vmul.f32 v34, v5;
	v31 =	vadd.f32 v50, v59;
	v61 =	vmul.f32 v26, v26  }
0x1e2: {  	v62 =	vmul.f32 v27, v27;
	v52 =	vadd.f32 v29, v28;
	v29 =	vadd.f32 v13, v58;
	v13 =	vld [tilespmem:s15+$0x0]  }
0x1e3: {  	v30 =	vadd.f32 v46, v54;
	v50 =	vperm.xlane v31, v2;
	v28 =	vadd.f32 v57, v40;
	v40 =	vld [tilespmem:s13+$0x10]  }
0x1e4: {  	v25 =	vmul.f32 v25, v6;
	v37 =	vadd.f32 v38, v42;
	v44 =	vadd.f32 v62, v61;
	v61 =	vld [tilespmem:s15+$0x10]  }
0x1e5: {  	v36 =	vld [tilespmem:s15+$0xFFFFFF80];
	v55 =	vadd.f32 v55, v9;
	v57 =	vadd.f32 v31, v50;
	v58 =	vperm.xlane v52, v2  }
0x1e6: {  	v53 =	vld [tilespmem:s13+$0x20];
	v59 =	vmul.f32 v28, v28;
	v31 =	vadd.f32 v60, v56;
	v60 =	vmul.f32 v29, v29  }
0x1e7: {  	v35 =	vld [tilespmem:s15+$0x20];
	v50 =	vadd.f32 v29, v28;
	v54 =	vperm.xlane v57, v3;
	v52 =	vadd.f32 v58, v52  }
0x1e8: {  	v56 =	vld [tilespmem:s13+$0xFFFFFF80];
	v38 =	vadd.f32 v60, v59;
	v42 =	vmul.f32 v31, v31;
	v34 =	vadd.f32 v13, v63  }
0x1e9: {  	v13 =	vadd.f32 v37, v31;
	v63 =	vmul.f32 v37, v37;
	v40 =	vadd.f32 v61, v40  }
0x1ea: {  	v43 =	vadd.f32 v57, v54;
	v62 =	vperm.xlane v52, v3;
	v57 =	vadd.f32 v27, v26  }
0x1eb: {  	v33 =	vmul.f32 v33, v6;
	v46 =	vld [tilespmem:s13+$0x30];
	v13 =	vadd.f32 v13, v50;
	v48 =	vadd.f32 v63, v42  }
0x1ec: {  	v60 =	vld [tilespmem:s15+$0x30];
	v42 =	vadd.f32 v35, v53;
	v52 =	vadd.f32 v62, v52;
	v61 =	vperm.xlane v43, v4  }
0x1ed: {  	v63 =	vmul.f32 v34, v34;
	v54 =	vadd.f32 v36, v56;
	v58 =	vmul.f32 v40, v40  }
0x1ee: {  	v38 =	vadd.f32 v48, v38;
	v43 =	vadd.f32 v43, v61;
	v62 =	vperm.xlane v52, v4  }
0x1ef: {  	v50 =	vmul.f32 v30, v30;
	v53 =	vadd.f32 v58, v63;
	v61 =	vadd.f32 v30, v54  }
0x1f0: {  	v63 =	vmul.f32 v42, v42;
	v35 =	vmul.f32 $1.562500000e-02, v43;
	v52 =	vadd.f32 v62, v52  }
0x1f1: {  	v43 =	vadd.f32 v60, v46;
	v62 =	vmul.f32 v54, v54;
	v48 =	vadd.f32 v57, v61  }
0x1f2: {  	v57 =	vadd.f32 v25, v10;
	v59 =	vmul.f32 $1.562500000e-02, v52;
	v60 =	vmul.f32 v35, v35  }
0x1f3: {  	v52 =	vadd.f32 v40, v34;
	v50 =	vadd.f32 v50, v62;
	v61 =	vmul.f32 v43, v43  }
0x1f4: {  	v62 =	vperm.xlane v13, v1;
	v14 =	vsub.f32 v14, v35;
	v39 =	vsub.f32 v59, v60  }
0x1f5: {  	v36 =	vmul.f32 v32, v8;
	v60 =	vadd.f32 v43, v42;
	v46 =	vadd.f32 v61, v63  }
0x1f6: {  	v44 =	vadd.f32 v44, v50;
	v63 =	vperm.xlane v48, v1;
	v13 =	vadd.f32 v13, v62  }
0x1f7: {  	v61 =	vperm.xlane v38, v1;
	v32 =	vadd.f32 v60, v52;
	v39 =	vadd.f32 $9.999999970e-07, v39  }
0x1f8: {  	v41 =	vmul.f32 v41, v7;
	v46 =	vadd.f32 v46, v53;
	v48 =	vadd.f32 v48, v63  }
0x1f9: {  	v60 =	vperm.xlane v44, v1;
	v38 =	vadd.f32 v61, v38;
	v56 =	vperm.xlane v32, v1  }
0x1fa: {  	v59 =	vshrl.u32 v39, $0x1;
	v39 =	vmul.f32 $5.000000000e-01, v39;
	v62 =	vperm.xlane v48, v2  }
0x1fb: {  	v44 =	vadd.f32 v60, v44;
	v63 =	vperm.xlane v46, v1;
	v52 =	vsub.s32 $0x5F3759DF, v59  }
0x1fc: {  	v61 =	vperm.xlane v13, v2;
	v32 =	vadd.f32 v32, v56;
	v60 =	vmul.f32 v52, v39  }
0x1fd: {  	v25 =	vadd.f32 v48, v62;
	v46 =	vadd.f32 v63, v46;
	v63 =	vperm.xlane v44, v2  }
0x1fe: {  	v48 =	vadd.f32 v13, v61;
	v13 =	vmul.f32 v51, v5;
	v61 =	vperm.xlane v38, v2  }
0x1ff: {  	v19 =	vsub.f32 v19, v35;
	v62 =	vperm.xlane v32, v2;
	v53 =	vmul.f32 v52, v60  }
0x200: {  	v44 =	vadd.f32 v63, v44;
	v63 =	vperm.xlane v46, v2;
	v38 =	vadd.f32 v61, v38  }
0x201: {  	v58 =	vperm.xlane v48, v3;
	v60 =	vsub.f32 $1.500000000e+00, v53;
	v32 =	vadd.f32 v32, v62  }
0x202: {  	v62 =	vperm.xlane v25, v3;
	v46 =	vadd.f32 v63, v46;
	v61 =	vperm.xlane v38, v3  }
0x203: {  	v48 =	vadd.f32 v48, v58;
	v51 =	vmul.f32 v52, v60;
	v59 =	vperm.xlane v32, v3  }
0x204: {  	v25 =	vadd.f32 v25, v62;
	v60 =	vperm.xlane v44, v3;
	v62 =	vperm.xlane v46, v3  }
0x205: {  	v38 =	vadd.f32 v61, v38;
	v39 =	vmul.f32 v51, v39;
	v52 =	vadd.f32 v32, v59  }
0x206: {  	v44 =	vadd.f32 v60, v44;
	v63 =	vperm.xlane v25, v4;
	v60 =	vperm.xlane v48, v4  }
0x207: {  	v46 =	vadd.f32 v62, v46;
	v58 =	vperm.xlane v38, v4;
	v39 =	vmul.f32 v39, v51  }
0x208: {  	v61 =	vperm.xlane v52, v4;
	v25 =	vadd.f32 v25, v63;
	v48 =	vadd.f32 v48, v60  }
0x209: {  	v63 =	vperm.xlane v44, v4;
	v38 =	vadd.f32 v58, v38;
	v62 =	vsub.f32 $1.500000000e+00, v39  }
0x20a: {  	v59 =	vadd.f32 v52, v61;
	v60 =	vmul.f32 $1.562500000e-02, v25;
	v25 =	vperm.xlane v46, v4  }
0x20b: {  	v39 =	vadd.f32 v63, v44;
	v44 =	vmul.f32 $1.562500000e-02, v48;
	v38 =	vmul.f32 $1.562500000e-02, v38  }
0x20c: {  	v32 =	vmul.f32 v62, v51;
	v48 =	vmul.f32 $1.562500000e-02, v59;
	v46 =	vadd.f32 v25, v46  }
0x20d: {  	v39 =	vmul.f32 $1.562500000e-02, v39;
	v61 =	vmul.f32 v60, v60;
	v25 =	vsub.f32 v54, v60  }
0x20e: {  	v62 =	vmul.f32 v44, v44;
	v30 =	vsub.f32 v30, v60;
	v26 =	vsub.f32 v26, v60  }
0x20f: {  	v39 =	vsub.f32 v39, v61;
	v46 =	vmul.f32 $1.562500000e-02, v46;
	v56 =	vmul.f32 v48, v48  }
0x210: {  	v27 =	vsub.f32 v27, v60;
	v63 =	vmul.f32 v32, v14;
	v38 =	vsub.f32 v38, v62  }
0x211: {  	v14 =	vmul.f32 v24, v6;
	v24 =	vadd.f32 $9.999999970e-07, v39;
	v58 =	vsub.f32 v46, v56  }
0x212: {  	v28 =	vsub.f32 v28, v44;
	v51 =	vmul.f32 v63, v8;
	v38 =	vadd.f32 $9.999999970e-07, v38  }
0x213: {  	v59 =	vshrl.u32 v24, $0x1;
	v50 =	vmul.f32 $5.000000000e-01, v24;
	v24 =	vadd.f32 $9.999999970e-07, v58  }
0x214: {  	v60 =	vshrl.u32 v38, $0x1;
	v52 =	vmul.f32 $5.000000000e-01, v38;
	v46 =	vsub.s32 $0x5F3759DF, v59  }
0x215: {  	v53 =	vsub.s32 $0x5F3759DF, v60;
	v61 =	vshrl.u32 v24, $0x1;
	v62 =	vmul.f32 $5.000000000e-01, v24  }
0x216: {  	v24 =	vmul.f32 v46, v50;
	v63 =	vmul.f32 v53, v52;
	v58 =	vsub.s32 $0x5F3759DF, v61  }
0x217: {  	[tilespmem:s3+$0x70] =	vst v15;
	v39 =	vsub.f32 v29, v44;
	v29 =	vsub.f32 v31, v44;
	v15 =	vmul.f32 v58, v62  }
0x218: {  	[tilespmem:s3+$0x40] =	vst v16;
	v31 =	vsub.f32 v34, v48;
	v16 =	vmul.f32 v46, v24;
	v60 =	vmul.f32 v53, v63  }
0x219: {  	[tilespmem:s3+$0x50] =	vst v20;
	v38 =	vsub.f32 v37, v44;
	v59 =	vadd.f32 v51, v12;
	v20 =	vmul.f32 v58, v15  }
0x21a: {  	[tilespmem:s3+$0x60] =	vst v22;
	v19 =	vmul.f32 v32, v19;
	v22 =	vsub.f32 $1.500000000e+00, v16;
	v61 =	vsub.f32 $1.500000000e+00, v60  }
0x21b: {  	[tilespmem:s3+$0xFFFFFFA0] =	vst v45;
	v24 =	vsub.f32 v40, v48;
	v15 =	vmul.f32 v23, v7;
	v20 =	vsub.f32 $1.500000000e+00, v20  }
0x21c: {  	[tilespmem:s3+$0xFFFFFFB0] =	vst v47;
	v23 =	vsub.f32 v42, v48;
	v42 =	vmul.f32 v46, v22;
	v40 =	vmul.f32 v53, v61  }
0x21d: {  	[tilespmem:s3+$0xFFFFFF80] =	vst v49;
	v16 =	vmul.f32 v21, v8;
	v37 =	vmul.f32 v58, v20;
	v20 =	vsub.f32 v18, v35  }
0x21e: {  	[tilespmem:s3+$0xFFFFFFC0] =	vst v55;
	v63 =	vadd.f32 v33, v10;
	v21 =	vmul.f32 v42, v50;
	v22 =	vmul.f32 v40, v52  }
0x21f: {  	[tilespmem:s3+$0xFFFFFF90] =	vst v57;
	v18 =	vsub.f32 v17, v35;
	v62 =	vmul.f32 v37, v62;
	v17 =	vmul.f32 v32, v20  }
0x220: {  	[tilespmem:s13+$0x70] =	vst v59;
	v33 =	vmul.f32 v21, v42;
	v35 =	vmul.f32 v22, v40;
	v20 =	vadd.f32 v41, v11  }
0x221: {  	s18 =	simm.s32 $0x4;
	s20 =	simm.s32 $0x10A80;
	v34 =	vsub.f32 v43, v48;
	[tilespmem:s3+$0xFFFFFFD0] =	vst v63;
	v21 =	vadd.f32 v36, v12;
	v22 =	vmul.f32 v62, v37  }
.LBB2_7:
0x222: {  	v36 =	vld [tilespmem:s20+$0x40];
	v33 =	vsub.f32 $1.500000000e+00, v33;
	v35 =	vsub.f32 $1.500000000e+00, v35;
	v18 =	vmul.f32 v32, v18;
	s15 =	sadd.s32 $0x100, s15;
	[tilespmem:s3+$0xFFFFFFE0] =	vst v20  }
0x223: {  	v17 =	vmul.f32 v17, v5;
	v20 =	vld [tilespmem:s15+$0x40];
	v22 =	vsub.f32 $1.500000000e+00, v22;
	v19 =	vmul.f32 v19, v6;
	[tilespmem:s3+$0xFFFFFFF0] =	vst v21  }
0x224: {  	v13 =	vadd.f32 v13, v9;
	v21 =	vld [tilespmem:s20+$0x50];
	v32 =	vmul.f32 v33, v42;
	v33 =	vmul.f32 v35, v40  }
0x225: {  	v14 =	vadd.f32 v14, v10;
	v18 =	vmul.f32 v18, v7;
	v35 =	vld [tilespmem:s15+$0x50];
	v22 =	vmul.f32 v22, v37  }
0x226: {  	v37 =	vld [tilespmem:s20+$0x60];
	v25 =	vmul.f32 v32, v25;
	v40 =	vmul.f32 v32, v30;
	[tilespmem:s3+$0x0] =	vst v13;
	v13 =	vadd.f32 v15, v11  }
0x227: {  	v26 =	vmul.f32 v32, v26;
	v27 =	vmul.f32 v32, v27;
	v15 =	vld [tilespmem:s15+$0x60];
	[tilespmem:s3+$0x10] =	vst v14;
	v14 =	vadd.f32 v16, v12  }
0x228: {  	v17 =	vadd.f32 v17, v9;
	v28 =	vmul.f32 v33, v28;
	v32 =	vmul.f32 v33, v39;
	v16 =	vld [tilespmem:s20+$0x70];
	[tilespmem:s3+$0x20] =	vst v13  }
0x229: {  	v19 =	vadd.f32 v19, v10;
	v29 =	vmul.f32 v33, v29;
	v33 =	vmul.f32 v33, v38;
	v13 =	vld [tilespmem:s15+$0x70];
	[tilespmem:s3+$0x30] =	vst v14;
	s3 =	smov.u32 s13;
	s13 =	smov.u32 s20  }
0x22a: {  	s18 =	sadd.s32 $0x4, s18;
	v24 =	vmul.f32 v22, v24;
	v14 =	vmul.f32 v22, v31;
	v30 =	vld [tilespmem:s15+$0xFFFFFF80];
	[tilespmem:s3+$0x40] =	vst v17;
	v17 =	vadd.f32 v18, v11  }
0x22b: {  	p0 =	slt.u32 s18, $0xFC;
	v38 =	vmul.f32 v22, v23;
	v34 =	vmul.f32 v22, v34;
	v31 =	vld [tilespmem:s20+$0xFFFFFF90];
	[tilespmem:s3+$0x50] =	vst v19  }
0x22c: {  	v39 =	vmul.f32 v25, v5;
	v40 =	vmul.f32 v40, v6;
	v22 =	vld [tilespmem:s15+$0xFFFFFF90];
	[tilespmem:s3+$0x60] =	vst v17  }
0x22d: {  	v18 =	vadd.f32 v35, v21;
	v35 =	vmul.f32 v26, v7;
	v17 =	vadd.f32 v20, v36;
	v41 =	vld [tilespmem:s20+$0xFFFFFFA0]  }
0x22e: {  	v19 =	vadd.f32 v15, v37;
	v36 =	vmul.f32 v27, v8;
	v26 =	vld [tilespmem:s15+$0xFFFFFFA0];
	v25 =	vadd.f32 v13, v16  }
0x22f: {  	v37 =	vmul.f32 v28, v5;
	v20 =	vmul.f32 v32, v6;
	v13 =	vadd.f32 v18, v17;
	v15 =	vld [tilespmem:s20+$0xFFFFFFB0]  }
0x230: {  	v28 =	vmul.f32 v18, v18;
	v27 =	vmul.f32 v17, v17;
	v16 =	vld [tilespmem:s15+$0xFFFFFFB0];
	v21 =	vadd.f32 v25, v19  }
0x231: {  	v32 =	vmul.f32 v19, v19;
	v42 =	vmul.f32 v25, v25;
	v23 =	vadd.f32 v22, v31;
	v31 =	vld [tilespmem:s20+$0xFFFFFFC0]  }
0x232: {  	v22 =	vmul.f32 v29, v7;
	v43 =	vld [tilespmem:s15+$0xFFFFFFC0];
	v44 =	vadd.f32 v21, v13;
	v21 =	vmul.f32 v33, v8  }
0x233: {  	v28 =	vadd.f32 v28, v27;
	v32 =	vadd.f32 v42, v32;
	v45 =	vmul.f32 v23, v23;
	v29 =	vld [tilespmem:s20+$0xFFFFFFD0]  }
0x234: {  	v13 =	vmul.f32 v14, v5;
	v14 =	vmul.f32 v24, v6;
	v26 =	vadd.f32 v26, v41;
	v33 =	vld [tilespmem:s15+$0xFFFFFFD0]  }
0x235: {  	v32 =	vadd.f32 v32, v28;
	v27 =	vadd.f32 v16, v15;
	v41 =	vld [tilespmem:s20+$0xFFFFFFE0];
	v16 =	vperm.xlane v44, v1  }
0x236: {  	v24 =	vadd.f32 v39, v9;
	v42 =	vmul.f32 v26, v26;
	v15 =	vmul.f32 v38, v7;
	v46 =	vld [tilespmem:s15+$0xFFFFFFE0]  }
0x237: {  	v39 =	vperm.xlane v32, v1;
	v28 =	vadd.f32 v43, v31;
	v31 =	vld [tilespmem:s20+$0xFFFFFFF0];
	v38 =	vadd.f32 v44, v16  }
0x238: {  	v43 =	vadd.f32 v27, v26;
	v44 =	vmul.f32 v27, v27;
	v16 =	vmul.f32 v34, v8;
	v47 =	vld [tilespmem:s15+$0xFFFFFFF0];
	[tilespmem:s3+$0xFFFFFF80] =	vst v24  }
0x239: {  	v32 =	vadd.f32 v39, v32;
	v24 =	vadd.f32 v33, v29;
	v33 =	vld [tilespmem:s20+$0x0];
	v34 =	vperm.xlane v38, v2  }
0x23a: {  	v40 =	vadd.f32 v40, v10;
	v39 =	vadd.f32 v44, v42;
	v42 =	vmul.f32 v28, v28;
	v44 =	vld [tilespmem:s15+$0x0]  }
0x23b: {  	v29 =	vadd.f32 v46, v41;
	v41 =	vld [tilespmem:s20+$0x10];
	v34 =	vadd.f32 v38, v34;
	v38 =	vperm.xlane v32, v2  }
0x23c: {  	v35 =	vadd.f32 v35, v11;
	v46 =	vadd.f32 v24, v28;
	v48 =	vmul.f32 v24, v24;
	v49 =	vld [tilespmem:s15+$0x10];
	[tilespmem:s3+$0xFFFFFF90] =	vst v40  }
0x23d: {  	v31 =	vadd.f32 v47, v31;
	v40 =	vld [tilespmem:s20+$0x20];
	v47 =	vperm.xlane v34, v3;
	v32 =	vadd.f32 v38, v32  }
0x23e: {  	v38 =	vadd.f32 v48, v42;
	v42 =	vmul.f32 v29, v29;
	v48 =	vld [tilespmem:s15+$0x20];
	[tilespmem:s3+$0xFFFFFFA0] =	vst v35;
	v35 =	vadd.f32 v36, v12  }
0x23f: {  	v33 =	vadd.f32 v44, v33;
	v44 =	vld [tilespmem:s20+$0x30];
	v47 =	vadd.f32 v34, v47;
	v36 =	vperm.xlane v32, v3  }
0x240: {  	v50 =	vadd.f32 v31, v29;
	v51 =	vmul.f32 v31, v31;
	v52 =	vld [tilespmem:s15+$0x30];
	[tilespmem:s3+$0xFFFFFFB0] =	vst v35;
	v35 =	vadd.f32 v37, v9  }
0x241: {  	v53 =	vld [tilespmem:s20+$0xFFFFFF80];
	v34 =	vadd.f32 v49, v41;
	v37 =	vperm.xlane v47, v4;
	v32 =	vadd.f32 v36, v32  }
0x242: {  	v41 =	vadd.f32 v50, v46;
	v42 =	vadd.f32 v51, v42;
	v46 =	vmul.f32 v33, v33;
	[tilespmem:s3+$0xFFFFFFC0] =	vst v35  }
0x243: {  	v36 =	vadd.f32 v48, v40;
	v35 =	vadd.f32 v47, v37;
	v40 =	vperm.xlane v32, v4  }
0x244: {  	v38 =	vadd.f32 v42, v38;
	v42 =	vadd.f32 v34, v33;
	v47 =	vmul.f32 v34, v34  }
0x245: {  	v37 =	vadd.f32 v52, v44;
	v35 =	vmul.f32 $1.562500000e-02, v35;
	v32 =	vadd.f32 v40, v32  }
0x246: {  	v40 =	vadd.f32 v47, v46;
	v44 =	vmul.f32 v36, v36;
	v30 =	vadd.f32 v30, v53  }
0x247: {  	v46 =	vadd.f32 v37, v36;
	v32 =	vmul.f32 $1.562500000e-02, v32;
	v47 =	vmul.f32 v35, v35  }
0x248: {  	v50 =	vmul.f32 v37, v37;
	v48 =	vadd.f32 v23, v30;
	v49 =	vmul.f32 v30, v30  }
0x249: {  	v51 =	vperm.xlane v41, v1;
	v42 =	vadd.f32 v46, v42;
	v32 =	vsub.f32 v32, v47  }
0x24a: {  	v46 =	vperm.xlane v38, v1;
	v43 =	vadd.f32 v43, v48;
	v45 =	vadd.f32 v45, v49  }
0x24b: {  	v44 =	vadd.f32 v50, v44;
	v47 =	vperm.xlane v42, v1;
	v32 =	vadd.f32 $9.999999970e-07, v32  }
0x24c: {  	v41 =	vadd.f32 v41, v51;
	v39 =	vadd.f32 v39, v45;
	v45 =	vperm.xlane v43, v1  }
0x24d: {  	v40 =	vadd.f32 v44, v40;
	v44 =	vshrl.u32 v32, $0x1;
	v32 =	vmul.f32 $5.000000000e-01, v32  }
0x24e: {  	v43 =	vadd.f32 v43, v45;
	v45 =	vperm.xlane v39, v1;
	v44 =	vsub.s32 $0x5F3759DF, v44  }
0x24f: {  	v42 =	vadd.f32 v42, v47;
	v47 =	vperm.xlane v40, v1;
	v48 =	vmul.f32 v44, v32  }
0x250: {  	v49 =	vperm.xlane v43, v2;
	v39 =	vadd.f32 v45, v39;
	v45 =	vperm.xlane v41, v2  }
0x251: {  	v38 =	vadd.f32 v46, v38;
	v46 =	vperm.xlane v42, v2;
	v48 =	vmul.f32 v44, v48  }
0x252: {  	v40 =	vadd.f32 v47, v40;
	v43 =	vadd.f32 v43, v49;
	v49 =	vperm.xlane v39, v2  }
0x253: {  	v41 =	vadd.f32 v41, v45;
	v45 =	vperm.xlane v38, v2;
	v47 =	vsub.f32 $1.500000000e+00, v48  }
0x254: {  	v42 =	vadd.f32 v42, v46;
	v46 =	vperm.xlane v40, v2;
	v48 =	vperm.xlane v43, v3  }
0x255: {  	v39 =	vadd.f32 v49, v39;
	v49 =	vperm.xlane v41, v3;
	v44 =	vmul.f32 v44, v47  }
0x256: {  	v40 =	vadd.f32 v46, v40;
	v38 =	vadd.f32 v45, v38;
	v45 =	vperm.xlane v42, v3  }
0x257: {  	v43 =	vadd.f32 v43, v48;
	v46 =	vperm.xlane v39, v3;
	v32 =	vmul.f32 v44, v32  }
0x258: {  	v41 =	vadd.f32 v41, v49;
	v47 =	vperm.xlane v38, v3;
	v42 =	vadd.f32 v42, v45  }
0x259: {  	v45 =	vperm.xlane v40, v3;
	v39 =	vadd.f32 v46, v39;
	v32 =	vmul.f32 v32, v44  }
0x25a: {  	v46 =	vperm.xlane v43, v4;
	v48 =	vperm.xlane v41, v4;
	v38 =	vadd.f32 v47, v38  }
0x25b: {  	v47 =	vperm.xlane v42, v4;
	v40 =	vadd.f32 v45, v40;
	v32 =	vsub.f32 $1.500000000e+00, v32  }
0x25c: {  	v43 =	vadd.f32 v43, v46;
	v45 =	vperm.xlane v39, v4;
	v41 =	vadd.f32 v41, v48  }
0x25d: {  	v25 =	vsub.f32 v25, v35;
	v46 =	vperm.xlane v38, v4;
	v32 =	vmul.f32 v32, v44  }
0x25e: {  	v42 =	vadd.f32 v42, v47;
	v43 =	vmul.f32 $1.562500000e-02, v43;
	v44 =	vperm.xlane v40, v4  }
0x25f: {  	v39 =	vadd.f32 v45, v39;
	v41 =	vmul.f32 $1.562500000e-02, v41;
	v45 =	vmul.f32 v32, v25  }
0x260: {  	v38 =	vadd.f32 v46, v38;
	v46 =	vmul.f32 $1.562500000e-02, v42;
	v40 =	vadd.f32 v44, v40  }
0x261: {  	v39 =	vmul.f32 $1.562500000e-02, v39;
	v25 =	vsub.f32 v30, v43;
	v42 =	vmul.f32 v45, v8  }
0x262: {  	v44 =	vmul.f32 v43, v43;
	v30 =	vsub.f32 v23, v43;
	v23 =	vmul.f32 $1.562500000e-02, v38  }
0x263: {  	v38 =	vmul.f32 v41, v41;
	v40 =	vmul.f32 $1.562500000e-02, v40;
	v42 =	vadd.f32 v42, v12  }
0x264: {  	v26 =	vsub.f32 v26, v43;
	v39 =	vsub.f32 v39, v44;
	v44 =	vmul.f32 v46, v46  }
0x265: {  	v27 =	vsub.f32 v27, v43;
	v23 =	vsub.f32 v23, v38;
	[tilespmem:s20+$0x70] =	vst v42  }
0x266: {  	v38 =	vadd.f32 $9.999999970e-07, v39;
	v39 =	vsub.f32 v40, v44  }
0x267: {  	v28 =	vsub.f32 v28, v41;
	v23 =	vadd.f32 $9.999999970e-07, v23  }
0x268: {  	v40 =	vshrl.u32 v38, $0x1;
	v43 =	vmul.f32 $5.000000000e-01, v38;
	v38 =	vadd.f32 $9.999999970e-07, v39  }
0x269: {  	v39 =	vshrl.u32 v23, $0x1;
	v44 =	vmul.f32 $5.000000000e-01, v23;
	v40 =	vsub.s32 $0x5F3759DF, v40  }
0x26a: {  	v45 =	vsub.s32 $0x5F3759DF, v39;
	v23 =	vshrl.u32 v38, $0x1;
	v47 =	vmul.f32 $5.000000000e-01, v38  }
0x26b: {  	v38 =	vmul.f32 v40, v43;
	v42 =	vmul.f32 v45, v44;
	v48 =	vsub.s32 $0x5F3759DF, v23  }
0x26c: {  	v29 =	vsub.f32 v29, v41;
	v39 =	vsub.f32 v24, v41;
	v23 =	vmul.f32 v48, v47  }
0x26d: {  	v49 =	vmul.f32 v40, v38;
	v42 =	vmul.f32 v45, v42;
	v38 =	vsub.f32 v31, v41  }
0x26e: {  	v24 =	vsub.f32 v34, v46;
	v31 =	vsub.f32 v33, v46;
	v23 =	vmul.f32 v48, v23  }
0x26f: {  	v33 =	vsub.f32 $1.500000000e+00, v49;
	v34 =	vsub.f32 $1.500000000e+00, v42  }
0x270: {  	v41 =	vsub.f32 $1.500000000e+00, v23;
	v23 =	vsub.f32 v36, v46  }
0x271: {  	v42 =	vmul.f32 v40, v33;
	v40 =	vmul.f32 v45, v34;
	v34 =	vsub.f32 v37, v46  }
.Ltmp2:
0x272: {  	v17 =	vsub.f32 v17, v35;
	v36 =	vsub.f32 v18, v35;
	v37 =	vmul.f32 v48, v41;
	(pc) =	sbr.rel @p0 .LBB2_7-.Ltmp2, $4  }
0x273: {  	v18 =	vsub.f32 v19, v35;
	v33 =	vmul.f32 v42, v43;
	v41 =	vmul.f32 v40, v44  }
0x274: {  	v17 =	vmul.f32 v32, v17;
	v43 =	vadd.f32 v20, v10;
	v19 =	vmul.f32 v37, v47  }
0x275: {  	v20 =	vadd.f32 v22, v11;
	v33 =	vmul.f32 v33, v42;
	v35 =	vmul.f32 v41, v40  }
0x276: {  	v21 =	vadd.f32 v21, v12;
	s20 =	sadd.s32 $0x100, s20;
	v22 =	vmul.f32 v19, v37;
	v19 =	vmul.f32 v32, v36;
	[tilespmem:s3+$0xFFFFFFD0] =	vst v43  }
0x277: {  	v33 =	vsub.f32 $1.500000000e+00, v33;
	v35 =	vsub.f32 $1.500000000e+00, v35  }
0x278: {  	v18 =	vmul.f32 v32, v18;
	[tilespmem:s3+$0xFFFFFFE0] =	vst v20;
	v13 =	vadd.f32 v13, v9;
	v17 =	vmul.f32 v17, v5  }
0x279: {  	v14 =	vadd.f32 v14, v10;
	v47 =	vsub.f32 $1.500000000e+00, v22;
	[tilespmem:s3+$0xFFFFFFF0] =	vst v21;
	v48 =	vmul.f32 v33, v42  }
0x27a: {  	v19 =	vmul.f32 v19, v6;
	v49 =	vmul.f32 v35, v40;
	[tilespmem:s3+$0x0] =	vst v13;
	v13 =	vadd.f32 v15, v11  }
0x27b: {  	[tilespmem:s3+$0x10] =	vst v14;
	v14 =	vadd.f32 v16, v12;
	v51 =	vmul.f32 v18, v7;
	v50 =	vmul.f32 v48, v25  }
0x27c: {  	v17 =	vadd.f32 v17, v9;
	v15 =	vmul.f32 v47, v37;
	v52 =	vmul.f32 v48, v30;
	[tilespmem:s3+$0x20] =	vst v13  }
0x27d: {  	v19 =	vadd.f32 v19, v10;
	v13 =	vmul.f32 v48, v26;
	[tilespmem:s3+$0x30] =	vst v14;
	v14 =	vmul.f32 v50, v5  }
0x27e: {  	v53 =	vmul.f32 v48, v27;
	[tilespmem:s13+$0x40] =	vst v17;
	v16 =	vadd.f32 v51, v11;
	v54 =	vmul.f32 v52, v6  }
0x27f: {  	v55 =	vmul.f32 v49, v28;
	[tilespmem:s13+$0x50] =	vst v19;
	v13 =	vmul.f32 v13, v7;
	v14 =	vadd.f32 v14, v9  }
0x280: {  	v56 =	vmul.f32 v49, v39;
	[tilespmem:s13+$0x60] =	vst v16;
	v57 =	vmul.f32 v53, v8;
	v17 =	vadd.f32 v54, v10  }
0x281: {  	v58 =	vmul.f32 v49, v29;
	v18 =	vmul.f32 v55, v5;
	v13 =	vadd.f32 v13, v11;
	[tilespmem:s13+$0xFFFFFF80] =	vst v14  }
0x282: {  	v19 =	vmul.f32 v56, v6;
	v16 =	vadd.f32 v57, v12;
	v14 =	vmul.f32 v49, v38;
	[tilespmem:s13+$0xFFFFFF90] =	vst v17  }
0x283: {  	v59 =	vmul.f32 v15, v31;
	v20 =	vmul.f32 v58, v7;
	[tilespmem:s13+$0xFFFFFFA0] =	vst v13;
	v13 =	vadd.f32 v18, v9  }
0x284: {  	v60 =	vmul.f32 v15, v24;
	v61 =	vadd.f32 v19, v10;
	[tilespmem:s13+$0xFFFFFFB0] =	vst v16;
	v14 =	vmul.f32 v14, v8  }
0x285: {  	v62 =	vmul.f32 v15, v23;
	v17 =	vmul.f32 v59, v5;
	[tilespmem:s13+$0xFFFFFFC0] =	vst v13;
	v13 =	vadd.f32 v20, v11  }
0x286: {  	v15 =	vmul.f32 v15, v34;
	v18 =	vmul.f32 v60, v6;
	[tilespmem:s13+$0xFFFFFFD0] =	vst v61;
	v14 =	vadd.f32 v14, v12  }
0x287: {  	s0 =	sadd.s32 $0x1, s0;
	v63 =	vmul.f32 v62, v7;
	[tilespmem:s13+$0xFFFFFFE0] =	vst v13;
	v13 =	vadd.f32 v17, v9  }
0x288: {  	p0 =	sne.s32 s0, $0x32;
	v15 =	vmul.f32 v15, v8;
	[tilespmem:s13+$0xFFFFFFF0] =	vst v14;
	v14 =	vadd.f32 v18, v10  }
.Ltmp3:
0x289: {  	s1 =	sshll.u32 s1, $0xE;
	[tilespmem:s13+$0x0] =	vst v13;
	v13 =	vadd.f32 v63, v11;
	(pc) =	sbr.rel @p0 .LBB2_4-.Ltmp3, $4  }
0x28a: {  	s1 =	sadd.s32 s10, s1;
	[tilespmem:s13+$0x10] =	vst v14;
	v14 =	vadd.f32 v15, v12  }
0x28b: {  	s1 =	sshrl.u32 s1, $0x3;
	[tilespmem:s13+$0x20] =	vst v13  }
0x28c: {  	s1 =	sadd.s32 s4, s1;
	[tilespmem:s13+$0x30] =	vst v14  }
0x28d: {  	[hbm4b:s1+s5] =	stream.linear.scatter [tilespmem:s24], [sflag:$0x4], $0x4000, $0x38;
	[tilespmem:$0x1C880] =	vst v63  }
0x28e: {  	s2 =	sadd.s32 $0x1, s2  }
0x28f: {  	_ =	swait.ge [sflag:s30], $0x4000;
	p0 =	sne.s32 s2, s11  }
.Ltmp4:
0x290: {  	[sflag:s30] =	ssyncset.done $0x0;
	(pc) =	sbr.rel @p0 .LBB2_1-.Ltmp4, $4  }
0x291: {  	[sflag:s30] =	ssyncadd.s32 $0xFFFFC000  }
0x292: {  	_ =	swait.ge [sflag:s31], $0x4000  }
0x293: {  	[sflag:s31] =	ssyncset.done $0x0  }
0x294: {  	[sflag:s31] =	ssyncadd.s32 $0xFFFFC000  }
0x295: {  	_ =	sfence.sel $0x180000  }
0x296: {  	[bflag:$0x0] =	sbarrier.arrive $0xFFFF  }
0x297: {  	_ =	strace $0x90000047  }
0x298: {  	s0 =	stileid.u32;
	[bflag:$0x2] =	sbarrier.arrive $0xFFFF  }
0x299: {  	p0 =	sne.s32 s0, $0x0;
	s0 =	rddreg [dreg:$0x4]  }
0x29a: {  	s0 =	sadd.s32 @!p0 $0x100000, s0  }
0x29b: {  	[sflag:s0] =	ssyncadd.tile.s32 @!p0 $0x1;
	_ =	shalt  }
.Lfunc_end2:
_tile_overlayer_lowered:
.L_overlay_start_2:
0x29c: {  	(tag) =	ssettag $0x2  }
0x29d: {  	s0 =	rddreg [dreg:$0x0];
	s2 =	stileid.u32  }
0x29e: {  	s1 =	rddreg [dreg:$0x1];
	p0 =	sne.s32 s2, $0x0  }
0x29f: {  	s3 =	rddreg [dreg:$0x2];
	[bflag:$0x3] =	sbarrier.arrive $0xFFFF;
	s2 =	simm.s32 @!p0 $0x1C05  }
0x2a0: {  	[timem:s3], [sflag:s2] =	dma.local @!p0 [hbm:s0], s1  }
0x2a1: {  	s0 =	simm.s32 @!p0 $0x5  }
0x2a2: {  	_ =	swait.ge @!p0 [sflag:s0], s1  }
0x2a3: {  	s1 =	ssub.s32 @!p0 $0x0, s1;
	[sflag:s0] =	ssyncset.done @!p0 $0x0  }
0x2a4: {  	[sflag:s0] =	ssyncadd.s32 @!p0 s1  }
0x2a5: {  	[bflag:$0x3] =	sbarrier.arrive $0xFFFF  }
0x2a6: {  	_ =	shalt  }

// kernel: sparse-core-data-format-call.cloned.1.call-start
scs
called_computation_lowered:
.L_overlay_start_0:
0x0: {  	s2 =	sld [smem:$0x3FD9]  }
0x1: {  	s3 =	sld [smem:$0x3FFE];
	_ =	sdelay $0x1  }
0x2: {  	s1 =	srdreg.scid  }
0x3: {  	s0 =	sand.u32 $0x1, s1  }
0x4: {  	s18 =	sshll.u32 s0, $0xA;
	s2 =	sadd.s32 s3, s2  }
0x5: {  	s2 =	sadd.s32 s2, s18  }
0x6: {  	[smem:$0x3FC1] =	sst s2  }
0x7: {  	_ = 	snop  }
0x8: {  	s2 =	sld [smem:$0x3FD0];
	(tm) =	ssettm $0x1  }
0x9: {  	s19 =	sld [smem:$0x3FFB];
	_ =	sdelay $0x3  }
0xa: {  	_ =	strace s19  }
0xb: {  	s3 =	sld [smem:$0x3FFC];
	_ =	sdelay $0x3  }
0xc: {  	_ =	strace s3  }
0xd: {  	s3 =	sld [smem:$0x3FFD];
	_ =	sdelay $0x3  }
0xe: {  	_ =	strace s3  }
0xf: {  	_ =	strace $0x8FFFFFFF  }
0x10: {  	s20 =	sld [smem:$0x3FDB];
	_ =	sdelay $0x1  }
0x11: {  	s4 =	simm.s32 $_scs_section_size  }
0x12: {  	s5 =	simm.s32 $_size__tile_overlayer_lowered;
	s6 =	simm.s32 $_tile_overlayer_lowered  }
0x13: {  	s23 =	simm.s32 $0x1BFF;
	s22 =	sshll.u32 s6, $0x1;
	s3 =	sadd.s32 s4, s20  }
0x14: {  	s7 =	simm.s32 $0x0;
	s21 =	sshll.u32 s5, $0x1;
	s5 =	sadd.s32 s22, s3  }
0x15: {  	[timem:s7], [sflag:s23] =	dma.local [hbm:s5], s21  }
0x16: {  	_ =	swait.ge [sflag:s23], s21  }
0x17: {  	s4 =	ssub.s32 $0x0, s21;
	[sflag:s23] =	ssyncset.done $0x0  }
0x18: {  	[sflag:s23] =	ssyncadd.s32 s4;
	_ =	sdelay $0x1  }
0x19: {  	s24 =	simm.s32 $0x1B8B  }
0x1a: {  	_ =	swait.ge [sflag:s24], $0x1  }
0x1b: {  	[sflag:s24] =	ssyncset.done $0x0  }
0x1c: {  	s26 =	simm.s32 $0x1B8E;
	s25 =	sld [smem:$0x3FFE];
	[sflag:s24] =	ssyncadd.s32 $0xFFFFFFFF  }
0x1d: {  	s27 =	simm.s32 $execute0_lowered;
	[smem:$0x3FD2] =	sst s26  }
0x1e: {  	s5 =	sshll.u32 s27, $0x1;
	_ =	strace $0x80000049;
	[dreg:$0x1] =	wrdreg $0xFFFFFFFF  }
0x1f: {  	s28 =	simm.s32 $_size_execute0_lowered;
	s3 =	sadd.s32 s3, s5;
	[dreg:$0x0] =	wrdreg $0x0  }
0x20: {  	s5 =	sshll.u32 s28, $0x1;
	[dreg:$0x2] =	wrdreg s3  }
0x21: {  	[dreg:$0x3] =	wrdreg s5  }
0x22: {  	[dreg:$0x4] =	wrdreg $0xC0  }
0x23: {  	_ =	task [dreg:s7], $0x5FFFF  }
0x24: {  	[dreg:$0x1] =	wrdreg $0xFFFFFFFF  }
0x25: {  	[dreg:$0x0] =	wrdreg $0x60  }
0x26: {  	[dreg:$0x2] =	wrdreg s25  }
0x27: {  	[dreg:$0x3] =	wrdreg s2  }
0x28: {  	[dreg:$0x4] =	wrdreg $0x9  }
0x29: {  	_ =	task.clear_ibuf [dreg:s7], $0x5FFFF;
	_ =	strace $0x90000049  }
0x2a: {  	s29 =	simm.s32 $0x9;
	_ =	strace $0x8000004B  }
0x2b: {  	_ =	swait.ge [sflag:s29], $0x1  }
0x2c: {  	[sflag:s29] =	ssyncadd.s32 $0xFFFFFFFF  }
0x2d: {  	_ =	strace $0x9000004B  }
0x2e: {  	_ =	sfence  }
0x2f: {  	s30 =	sld [smem:$0x0];
	_ =	sdelay $0x2  }
0x30: {  	s31 =	sshll.u32 s1, $0xD;
	s1 =	sshrl.u32 s1, $0x2  }
0x31: {  	s3 =	sand.u32 $0x4000, s31;
	s1 =	sadd.s32 s1, s30  }
0x32: {  	s0 =	sor.u32 s3, s0;
	s1 =	sshll.u32 s1, $0x11  }
0x33: {  	s0 =	sor.u32 s1, s0  }
0x34: {  	s0 =	sadd.s32 $0x8F2B, s0  }
0x35: {  	[sflag:s0] =	ssyncadd.remote.s32 $0x1  }
0x36: {  	_ =	sfence.sel $0xFFFF  }
0x37: {  	[dreg:$0x0] =	wrdreg $0xFFFFFFFF;
	(pc) =	sbr.abs _section_cstart, $3  }
0x38: {  	[dreg:$0x1] =	wrdreg $0xFFFFFFFF  }
0x39: {  	_ =	task.clear_ibuf [dreg:s7], $0x2FFFF;
	_ =	strace $0x9FFFFFFF  }
0x3a: {  	(tm) =	ssettm $0x7FFFFFFF  }
0x3b: {  	_ =	shalt  }
tec
execute0_lowered:
.L_overlay_start_1:
0x0: {  	(tag) =	ssettag $0x1  }
0x1: {  	s0 =	srdreg.scid  }
0x2: {  	s1 =	sshll.u32 s0, $0x4  }
0x3: {  	s0 =	stileid.u32;
	s1 =	sand.u32 $0x10, s1  }
0x4: {  	s1 =	sor.u32 s0, s1  }
0x5: {  	s6 =	rddreg [dreg:$0x0];
	s4 =	simm.s32 $0x1;
	s2 =	sshll.u32 s1, $0x7  }
0x6: {  	s7 =	simm.s32 $0x2;
	s12 =	simm.s32 $0x0;
	s1 =	ssub.s32 $0x1000, s2  }
0x7: {  	s8 =	simm.s32 $0x8000;
	s13 =	simm.s32 $0x0;
	s3 =	sand.u32 $0xF80, s1  }
0x8: {  	s9 =	simm.s32 $0x0;
	s5 =	sshrl.u32 s1, $0xC;
	p0 =	sne.s32 s3, $0x0  }
.Ltmp0:
0x9: {  	s1 =	rddreg [dreg:$0x2];
	s4 =	simm.s32 @!p0 $0x0;
	(pc) =	sbr.rel .LBB1_1-.Ltmp0, $4  }
0xa: {  	s11 =	simm.s32 $0x0;
	s3 =	rddreg [dreg:$0x1];
	s5 =	sadd.s32 s4, s5  }
0xb: {  	_ =	strace $0x8000004A;
	s4 =	simm.s32 $0x1;
	s5 =	smul.u32 $0xC8, s5  }
0xc: {  	s6 =	sadd.s32 $0x1200, s6;
	s10 =	smov.u32 s2;
	[sflag:s4] =	ssyncpa.u1 $0x0  }
0xd: {  	p0 =	por $0x0, $0x0;
	[sflag:s7] =	ssyncpa.u1 $0x0;
	s7 =	sor.u32 $0x1, s5  }
.LBB1_4:
0xe: {  	s16 =	sshll.u32 s13, $0x3;
	s17 =	sand.u32 $0x78, s13  }
0xf: {  	s30 =	sand.u32 $0x7E00, s13;
	s12 =	sshll.u32 s12, $0xF;
	s16 =	sand.u32 $0xC00, s16  }
0x10: {  	[tilespmem:s15+$0x810 ss:$0x81] =	vst.msk $0xffff, v2;
	s31 =	sand.u32 $0x7, s13;
	s16 =	sor.u32 s17, s16;
	s17 =	sadd.s32 s3, s30  }
0x11: {  	[tilespmem:s15+$0x1020 ss:$0x81] =	vst.msk $0xffff, v0;
	s13 =	sshll.u32 s31, $0x12;
	s12 =	sadd.s32 s12, s17;
	s16 =	sshrl.u32 s16, $0x3  }
0x12: {  	[tilespmem:s15+$0x0 ss:$0x81] =	vst.msk $0xffff, v1;
	s13 =	sor.u32 $0x400, s13;
	s12 =	sadd.s32 s16, s12  }
0x13: {  	[hbm4b:s12+s13] =	stream.strided.scatter [tilespmem:s14], [sflag:$0x2], $0x2000, s8, s13, $0x20;
	[tilespmem:$0x8080] =	vst v63  }
.LBB1_5:
0x14: {  	s14 =	sadd.s32 $0x1, s9  }
0x15: {  	s12 =	sadd.s32 $0x1000, s10;
	s16 =	smov.u32 s10;
	p2 =	sgt.s32 s14, $0xC7  }
0x16: {  	s16 =	smov.u32 @p2 s12  }
0x17: {  	s14 =	simm.s32 @p2 $0x0;
	p2 =	sgt.s32 s16, $0xFFF  }
0x18: {  	s16 =	smov.u32 @p2 s2;
	p2 =	sne.s32 s11, s7  }
.Ltmp1:
0x19: {  	p1 =	slt.u32 s11, $0x2;
	(pc) =	sbr.rel @!p2 .LBB1_6-.Ltmp1, $4  }
0x1a: {  	s15 =	simm.s32 @!p1 $0x2  }
0x1b: {  	s13 =	smov.u32 s10;
	p0 =	por !p0, !p0;
	_ =	swait.ge @!p1 [sflag:s15], $0x2000  }
0x1c: {  	s12 =	smov.u32 s9;
	[sflag:s15] =	ssyncset.done @!p1 $0x0;
	s9 =	smov.u32 s14  }
0x1d: {  	s11 =	sadd.s32 $0x1, s11;
	[sflag:s15] =	ssyncadd.s32 @!p1 $0xFFFFE000;
	s10 =	smov.u32 s16  }
.LBB1_1:
0x1e: {  	p1 =	sge.u32 s11, s5  }
0x1f: {  	s14 =	sand.u32 @!p1 $0x1FFFFFF, s9  }
0x20: {  	s15 =	smulhi.u32 @!p1 $0x147AE15, s14;
	_ =	sdelay $0x1  }
0x21: {  	s15 =	smul.u32 @!p1 $0xC8, s15  }
0x22: {  	s16 =	sxor.u32 @!p1 $0xFFFFFFFF, s11;
	s17 =	smul.u32 @!p1 $0xC80, s10  }
0x23: {  	s31 =	sadd.s32 $0xFFFFFFFF, s11;
	s16 =	sshll.u32 @!p1 s16, $0xD;
	s14 =	ssub.s32 @!p1 s14, s15  }
0x24: {  	s15 =	sand.u32 @!p1 $0x2000, s16;
	s16 =	sadd.s32 @!p1 s6, s17;
	s14 =	sshll.u32 @!p1 s14, $0x4  }
0x25: {  	s17 =	simm.s32 @!p1 $0x6400;
	s14 =	sadd.s32 @!p1 s14, s16;
	s16 =	simm.s32 @!p1 $0x40  }
0x26: {  	[tilespmem:s15], [sflag:$0x1] =	stream.strided.gather @!p1 [hbm4b:s14+s16], $0x2000, s17, s16, $0x38;
	[tilespmem:$0x8080] =	vst v63  }
0x27: {  	p1 =	sge.u32 s31, s5  }
.Ltmp2:
0x28: {  	_ = 	snop;
	(pc) =	sbr.rel @p1 .LBB1_5-.Ltmp2, $1  }
0x29: {  	_ =	sdelay $0x3  }
0x2a: {  	s14 =	simm.s32 $0x1  }
0x2b: {  	_ =	swait.ge [sflag:s4], $0x2000;
	s14 =	simm.s32 @!p0 $0x0  }
0x2c: {  	[sflag:s4] =	ssyncset.done $0x0;
	s15 =	sshll.u32 s14, $0xD  }
0x2d: {  	[sflag:s4] =	ssyncadd.s32 $0xFFFFE000;
	s18 =	sor.u32 $0x20, s15  }
0x2e: {  	s14 =	smul.u32 $0x8100, s14;
	v3 =	vld [tilespmem:s18+$0x10]  }
0x2f: {  	s30 =	sand.u32 $0x1, s11;
	v2 =	vld [tilespmem:s18+$0xFFFFFFF0]  }
0x30: {  	s15 =	smul.u32 $0x8100, s30;
	s14 =	sshrl.u32 s14, $0x2;
	v0 =	vld [tilespmem:s18+$0x0]  }
0x31: {  	v1 =	vld [tilespmem:s18+$0xFFFFFFE0];
	s16 =	sor.u32 $0x4000, s14  }
0x32: {  	s31 =	sshrl.u32 s15, $0x2;
	s15 =	sadd.s32 $0x0, s16  }
0x33: {  	s17 =	simm.s32 $0x4;
	s18 =	sadd.s32 $0x40, s18;
	s14 =	sor.u32 $0x4000, s31;
	[tilespmem:s15+$0x1830 ss:$0x81] =	vst.msk $0xffff, v3  }
.LBB1_3:
0x34: {  	v3 =	vld [tilespmem:s18+$0x10];
	p1 =	sne.s32 s17, $0x1FC;
	[tilespmem:s15+$0x810 ss:$0x81] =	vst.msk $0xffff, v2;
	s19 =	smov.u32 s17;
	s17 =	sadd.s32 $0x4, s17  }
.Ltmp3:
0x35: {  	v2 =	vld [tilespmem:s18+$0xFFFFFFF0];
	[tilespmem:s15+$0x1020 ss:$0x81] =	vst.msk $0xffff, v0;
	(pc) =	sbr.rel @p1 .LBB1_3-.Ltmp3, $4  }
0x36: {  	v0 =	vld [tilespmem:s18+$0x0];
	[tilespmem:s15+$0x0 ss:$0x81] =	vst.msk $0xffff, v1  }
0x37: {  	s15 =	sshra.s32 s19, $0x2;
	v1 =	vld [tilespmem:s18+$0xFFFFFFE0]  }
0x38: {  	s15 =	sadd.s32 s15, s16  }
0x39: {  	s18 =	sadd.s32 $0x40, s18;
	[tilespmem:s15+$0x1830 ss:$0x81] =	vst.msk $0xffff, v3  }
.Ltmp4:
0x3a: {  	_ = 	snop;
	(pc) =	sbr.rel .LBB1_4-.Ltmp4, $1  }
0x3b: {  	_ =	sdelay $0x3  }
.LBB1_6:
0x3c: {  	_ =	sfence.sel $0x180000  }
0x3d: {  	s2 =	simm.s32 $0x1;
	[bflag:$0x0] =	sbarrier.arrive $0xFFFF  }
0x3e: {  	s31 =	simm.s32 $0x2;
	[sflag:s2] =	ssyncpa.u1 $0x1  }
0x3f: {  	[sflag:s31] =	ssyncpa.u1 $0x1  }
0x40: {  	p0 =	sne.s32 s0, $0x0;
	_ =	strace $0x9000004A  }
0x41: {  	s0 =	sadd.s32 @!p0 $0x100000, s1;
	[bflag:$0x2] =	sbarrier.arrive $0xFFFF  }
0x42: {  	[sflag:s0] =	ssyncadd.tile.s32 @!p0 $0x1;
	_ =	shalt  }
.Lfunc_end1:
_tile_overlayer_lowered:
.L_overlay_start_2:
0x43: {  	(tag) =	ssettag $0x2  }
0x44: {  	s0 =	rddreg [dreg:$0x0];
	s2 =	stileid.u32  }
0x45: {  	s1 =	rddreg [dreg:$0x1];
	p0 =	sne.s32 s2, $0x0  }
0x46: {  	s3 =	rddreg [dreg:$0x2];
	[bflag:$0x3] =	sbarrier.arrive $0xFFFF;
	s2 =	simm.s32 @!p0 $0x1C01  }
0x47: {  	[timem:s3], [sflag:s2] =	dma.local @!p0 [hbm:s0], s1  }
0x48: {  	s0 =	simm.s32 @!p0 $0x1  }
0x49: {  	_ =	swait.ge @!p0 [sflag:s0], s1  }
0x4a: {  	s1 =	ssub.s32 @!p0 $0x0, s1;
	[sflag:s0] =	ssyncset.done @!p0 $0x0  }
0x4b: {  	[sflag:s0] =	ssyncadd.s32 @!p0 s1  }
0x4c: {  	[bflag:$0x3] =	sbarrier.arrive $0xFFFF  }
0x4d: {  	_ =	shalt  }

</sc_bundles>
